<compile_context>
chip_gen: v7x
topology: tpu7x:2x2x1
jax: 0.10.2.dev20260603
libtpu: 0.0.44.dev20260713+nightly
codegen_flags: <defaults>
</compile_context>

<pallas_src>
import functools

import jax
import jax.numpy as jnp
from jax import lax
from jax.experimental import pallas as pl
from jax.experimental.pallas import tpu as pltpu
from jax.experimental.pallas import tpu_sc as plsc

EMBED = 64
CHUNK = 128
C = 4


@functools.lru_cache(maxsize=None)
def _make_kernel(batch, hist):
    info = plsc.get_sparse_core_info()
    nw = info.num_cores * info.num_subcores
    nc = info.num_cores
    n_user_chunks = batch // CHUNK
    u_per_w = n_user_chunks // nw
    n_item_chunks = batch * hist // CHUNK
    i_per_w = n_item_chunks // nw
    n_blk = i_per_w // C
    assert n_blk % 2 == 0 and n_blk >= 4
    BROWS = C * CHUNK

    mesh = plsc.VectorSubcoreMesh(core_axis_name="c", subcore_axis_name="s")

    @functools.partial(
        pl.kernel,
        mesh=mesh,
        out_type=(
            jax.ShapeDtypeStruct((batch, EMBED), jnp.float32),
            jax.ShapeDtypeStruct((batch * hist, EMBED), jnp.float32),
        ),
        scratch_types=[
            pltpu.VMEM((u_per_w, CHUNK), jnp.int32),
            pltpu.VMEM((i_per_w, CHUNK), jnp.int32),
            pltpu.VMEM((BROWS, EMBED), jnp.float32),
            pltpu.VMEM((BROWS, EMBED), jnp.float32),
            pltpu.SemaphoreType.DMA,
            pltpu.SemaphoreType.DMA,
            pltpu.SemaphoreType.DMA,
            pltpu.SemaphoreType.DMA,
            pltpu.SemaphoreType.DMA,
        ],
        compiler_params=pltpu.CompilerParams(use_tc_tiling_on_sc=False),
    )
    def sc_gather(user_ids, item_ids, user_table, item_table,
                  user_out, item_out, uidx_v, iidx_v, buf_a, buf_b,
                  usem, gsem_a, gsem_b, wsem_a, wsem_b):
        wid = lax.axis_index("s") * nc + lax.axis_index("c")
        ubase = wid * u_per_w
        ibase = wid * i_per_w
        pltpu.sync_copy(user_ids.at[pl.ds(ubase, u_per_w)], uidx_v)
        pltpu.sync_copy(item_ids.at[pl.ds(ibase, i_per_w)], iidx_v)

        for b in range(u_per_w):
            pltpu.make_async_copy(
                user_table.at[uidx_v.at[b]],
                buf_a.at[pl.ds(b * CHUNK, CHUNK)], usem).start()
        pltpu.make_async_copy(
            user_table.at[pl.ds(0, u_per_w * CHUNK)],
            buf_a.at[pl.ds(0, u_per_w * CHUNK)], usem).wait()
        pltpu.sync_copy(buf_a.at[pl.ds(0, u_per_w * CHUNK)],
                        user_out.at[pl.ds(ubase * CHUNK, u_per_w * CHUNK)])

        def fire(buf, sem, i):
            for c in range(C):
                pltpu.make_async_copy(
                    item_table.at[iidx_v.at[i * C + c]],
                    buf.at[pl.ds(c * CHUNK, CHUNK)], sem).start()

        def drain_gathers(buf, sem):
            pltpu.make_async_copy(
                item_table.at[pl.ds(0, BROWS)], buf, sem).wait()

        def write(buf, sem, i):
            pltpu.make_async_copy(
                buf, item_out.at[pl.ds(ibase * CHUNK + i * BROWS, BROWS)],
                sem).start()

        def wait_write(buf, sem):
            pltpu.make_async_copy(
                buf, item_out.at[pl.ds(0, BROWS)], sem).wait()

        def phase(i, cur_buf, cur_g, cur_w, oth_buf, oth_g, oth_w,
                  first=False, fire_next=True):
            if not first:
                wait_write(oth_buf, oth_w)
            if fire_next:
                fire(oth_buf, oth_g, i + 1)
            drain_gathers(cur_buf, cur_g)
            write(cur_buf, cur_w, i)

        def phase_a(i, **kw):
            phase(i, buf_a, gsem_a, wsem_a, buf_b, gsem_b, wsem_b, **kw)

        def phase_b(i, **kw):
            phase(i, buf_b, gsem_b, wsem_b, buf_a, gsem_a, wsem_a, **kw)

        fire(buf_a, gsem_a, 0)
        phase_a(0, first=True)
        phase_b(1)

        def pair(p, carry):
            phase_a(2 * p)
            phase_b(2 * p + 1)
            return carry

        lax.fori_loop(1, n_blk // 2 - 1, pair, 0)

        phase_a(n_blk - 2)
        phase_b(n_blk - 1, fire_next=False)
        wait_write(buf_b, wsem_b)

    return sc_gather


def kernel(user_ids, item_ids, user_table, item_table):
    batch = user_ids.shape[0]
    hist = item_ids.shape[1]
    uids2 = user_ids.reshape(batch // CHUNK, CHUNK)
    iids2 = item_ids.reshape(batch * hist // CHUNK, CHUNK)
    user_out, item_flat = _make_kernel(batch, hist)(
        uids2, iids2, user_table, item_table)
    return user_out, item_flat.reshape(batch, hist, EMBED)

# --- scband reference (transcript-rebuilt; emitter-appended) ---
"""Pipeline reference for scband-embedding-layer-74208444940993 (READ-ONLY COPY).

The authoritative reference and input builder live on the scoring server;
editing this copy changes nothing except your own understanding.
"""

import jax, jax.numpy as jnp
import numpy as np

N_USERS = 1000000
N_ITEMS = 1000000
EMBED = 64
BATCH = 16384
HIST = 50

def setup_inputs(seed: int = 0) -> dict:
    key = jax.random.key(seed)
    k1, k2, k3, k4 = jax.random.split(key, 4)
    user_ids = jax.random.randint(k1, (BATCH,), 0, N_USERS, dtype=jnp.int64 if jax.config.jax_enable_x64 else jnp.int32).astype(jnp.int32)
    item_ids = jax.random.randint(k2, (BATCH, HIST), 0, N_ITEMS, dtype=jnp.int32)
    user_table = jax.random.normal(k3, (N_USERS, EMBED), dtype=jnp.float32)
    item_table = jax.random.normal(k4, (N_ITEMS, EMBED), dtype=jnp.float32)
    # padding_idx=0: zero out row 0 as torch nn.Embedding does at init/lookup
    user_table = user_table.at[0].set(0.0)
    item_table = item_table.at[0].set(0.0)
    return {"user_ids": user_ids, "item_ids": item_ids, "user_table": user_table, "item_table": item_table}

def reference(user_ids, item_ids, user_table, item_table):
    # EmbeddingLayer forward: embedding lookups for user and item indices
    user_emb = jnp.take(user_table, user_ids, axis=0)          # [B, D]
    item_emb = jnp.take(item_table, item_ids, axis=0)          # [B, L, D]
    return user_emb, item_emb

if __name__ == "__main__":
    import jax
    _d = setup_inputs()
    print(jax.jit(kernel)(*tuple(_d.values())))

</pallas_src>

<mosaic_0001>
#map = affine_map<(d0, d1) -> (0, 0)>
module attributes {stable_mosaic.version = 14 : i64} {
  func.func @sc_gather(%arg0: i32, %arg1: i32, %arg2: memref<128x128xi32, #tpu.memory_space<hbm>>, %arg3: memref<6400x128xi32, #tpu.memory_space<hbm>>, %arg4: memref<1000000x64xf32, #tpu.memory_space<hbm>>, %arg5: memref<1000000x64xf32, #tpu.memory_space<hbm>>, %arg6: memref<16384x64xf32, #tpu.memory_space<hbm>>, %arg7: memref<819200x64xf32, #tpu.memory_space<hbm>>, %arg8: memref<4x128xi32, #tpu.memory_space<vmem>>, %arg9: memref<200x128xi32, #tpu.memory_space<vmem>>, %arg10: memref<512x64xf32, #tpu.memory_space<vmem>>, %arg11: memref<512x64xf32, #tpu.memory_space<vmem>>, %arg12: memref<!tpu.dma_semaphore, #tpu.memory_space<semaphore_mem>>, %arg13: memref<!tpu.dma_semaphore, #tpu.memory_space<semaphore_mem>>, %arg14: memref<!tpu.dma_semaphore, #tpu.memory_space<semaphore_mem>>, %arg15: memref<!tpu.dma_semaphore, #tpu.memory_space<semaphore_mem>>, %arg16: memref<!tpu.dma_semaphore, #tpu.memory_space<semaphore_mem>>) attributes {dimension_semantics = [#tpu.dimension_semantics<core_parallel>, #tpu.dimension_semantics<subcore_parallel>], iteration_bounds = array<i64: 2, 16>, scalar_prefetch = 0 : i64, scratch_operands = 9 : i64, tpu.core_type = #tpu.core_type<sc_vector_subcore>, window_params = [{transform_indices = #map}, {transform_indices = #map}, {transform_indices = #map}, {transform_indices = #map}, {transform_indices = #map}, {transform_indices = #map}]} {
    %mul3A = arith.constant 2 : i32
    %mul3A_0 = arith.muli %arg1, %mul3A : i32
    %add3A = arith.addi %mul3A_0, %arg0 : i32
    %mul3A_1 = arith.constant 4 : i32
    %mul3A_2 = arith.muli %add3A, %mul3A_1 : i32
    %mul3A_3 = arith.constant 200 : i32
    %mul3A_4 = arith.muli %add3A, %mul3A_3 : i32
    "tpu.region"() ({
      %run_scoped3A = tpu.sem_alloc : memref<!tpu.dma_semaphore, #tpu.memory_space<semaphore_mem>>
      %dma_start3A_302 = arith.constant 0 : i32
      %dma_start3A_303 = tpu.memref_slice %arg2[%mul3A_2, %dma_start3A_302] : memref<128x128xi32, #tpu.memory_space<hbm>> -> memref<4x128xi32, #tpu.memory_space<hbm>>
      %dma_start3A_304 = arith.constant 0 : i32
      %dma_start3A_305 = tpu.memref_slice %arg2[%mul3A_2, %dma_start3A_304] : memref<128x128xi32, #tpu.memory_space<hbm>> -> memref<4x128xi32, #tpu.memory_space<hbm>>
      tpu.enqueue_dma source(%dma_start3A_305 : memref<4x128xi32, #tpu.memory_space<hbm>>) target(%arg8 : memref<4x128xi32, #tpu.memory_space<vmem>>) target_semaphore(%run_scoped3A : memref<!tpu.dma_semaphore, #tpu.memory_space<semaphore_mem>>)
      %dma_wait3A_306 = arith.constant 0 : i32
      %dma_wait3A_307 = tpu.memref_slice %arg2[%mul3A_2, %dma_wait3A_306] : memref<128x128xi32, #tpu.memory_space<hbm>> -> memref<4x128xi32, #tpu.memory_space<hbm>>
      %dma_wait3A_308 = arith.constant 0 : i32
      %dma_wait3A_309 = tpu.memref_slice %arg2[%mul3A_2, %dma_wait3A_308] : memref<128x128xi32, #tpu.memory_space<hbm>> -> memref<4x128xi32, #tpu.memory_space<hbm>>
      tpu.wait_dma2 semaphore(%run_scoped3A : memref<!tpu.dma_semaphore, #tpu.memory_space<semaphore_mem>>) src(%dma_wait3A_309 : memref<4x128xi32, #tpu.memory_space<hbm>>) dst(%arg8 : memref<4x128xi32, #tpu.memory_space<vmem>>)
      tpu.yield
    }) : () -> ()
    "tpu.region"() ({
      %run_scoped3A = tpu.sem_alloc : memref<!tpu.dma_semaphore, #tpu.memory_space<semaphore_mem>>
      %dma_start3A_302 = arith.constant 0 : i32
      %dma_start3A_303 = tpu.memref_slice %arg3[%mul3A_4, %dma_start3A_302] : memref<6400x128xi32, #tpu.memory_space<hbm>> -> memref<200x128xi32, #tpu.memory_space<hbm>>
      %dma_start3A_304 = arith.constant 0 : i32
      %dma_start3A_305 = tpu.memref_slice %arg3[%mul3A_4, %dma_start3A_304] : memref<6400x128xi32, #tpu.memory_space<hbm>> -> memref<200x128xi32, #tpu.memory_space<hbm>>
      tpu.enqueue_dma source(%dma_start3A_305 : memref<200x128xi32, #tpu.memory_space<hbm>>) target(%arg9 : memref<200x128xi32, #tpu.memory_space<vmem>>) target_semaphore(%run_scoped3A : memref<!tpu.dma_semaphore, #tpu.memory_space<semaphore_mem>>)
      %dma_wait3A_306 = arith.constant 0 : i32
      %dma_wait3A_307 = tpu.memref_slice %arg3[%mul3A_4, %dma_wait3A_306] : memref<6400x128xi32, #tpu.memory_space<hbm>> -> memref<200x128xi32, #tpu.memory_space<hbm>>
      %dma_wait3A_308 = arith.constant 0 : i32
      %dma_wait3A_309 = tpu.memref_slice %arg3[%mul3A_4, %dma_wait3A_308] : memref<6400x128xi32, #tpu.memory_space<hbm>> -> memref<200x128xi32, #tpu.memory_space<hbm>>
      tpu.wait_dma2 semaphore(%run_scoped3A : memref<!tpu.dma_semaphore, #tpu.memory_space<semaphore_mem>>) src(%dma_wait3A_309 : memref<200x128xi32, #tpu.memory_space<hbm>>) dst(%arg9 : memref<200x128xi32, #tpu.memory_space<vmem>>)
      tpu.yield
    }) : () -> ()
    %dma_start3A = arith.constant 0 : i32
    %dma_start3A_5 = arith.constant 0 : i32
    %dma_start3A_6 = arith.constant 0 : i32
    %dma_start3A_7 = tpu.memref_slice %arg10[%dma_start3A_5, %dma_start3A_6] : memref<512x64xf32, #tpu.memory_space<vmem>> -> memref<128x64xf32, #tpu.memory_space<vmem>>
    %dma_start3A_8 = arith.constant 0 : i32
    %dma_start3A_9 = tpu.memref_slice %arg8[%dma_start3A, %dma_start3A_8] : memref<4x128xi32, #tpu.memory_space<vmem>> -> memref<1x128xi32, #tpu.memory_space<vmem>>
    %dma_start3A_10 = tpu.memref_squeeze %dma_start3A_9 : memref<1x128xi32, #tpu.memory_space<vmem>> -> memref<128xi32, #tpu.memory_space<vmem>>
    %dma_start3A_11 = arith.constant 0 : i32
    %dma_start3A_12 = arith.constant 0 : i32
    %dma_start3A_13 = tpu.memref_slice %arg4[%dma_start3A_11, %dma_start3A_12] : memref<1000000x64xf32, #tpu.memory_space<hbm>> -> memref<1000000x64xf32, #tpu.memory_space<hbm>>
    tpu.enqueue_indirect_dma source(%dma_start3A_13 : memref<1000000x64xf32, #tpu.memory_space<hbm>>) target(%dma_start3A_7 : memref<128x64xf32, #tpu.memory_space<vmem>>) offsets(%dma_start3A_10 : memref<128xi32, #tpu.memory_space<vmem>>) semaphore(%arg12 : memref<!tpu.dma_semaphore, #tpu.memory_space<semaphore_mem>>)
    %dma_start3A_14 = arith.constant 1 : i32
    %dma_start3A_15 = arith.constant 128 : i32
    %dma_start3A_16 = arith.constant 0 : i32
    %dma_start3A_17 = tpu.memref_slice %arg10[%dma_start3A_15, %dma_start3A_16] : memref<512x64xf32, #tpu.memory_space<vmem>> -> memref<128x64xf32, #tpu.memory_space<vmem>>
    %dma_start3A_18 = arith.constant 0 : i32
    %dma_start3A_19 = tpu.memref_slice %arg8[%dma_start3A_14, %dma_start3A_18] : memref<4x128xi32, #tpu.memory_space<vmem>> -> memref<1x128xi32, #tpu.memory_space<vmem>>
    %dma_start3A_20 = tpu.memref_squeeze %dma_start3A_19 : memref<1x128xi32, #tpu.memory_space<vmem>> -> memref<128xi32, #tpu.memory_space<vmem>>
    %dma_start3A_21 = arith.constant 0 : i32
    %dma_start3A_22 = arith.constant 0 : i32
    %dma_start3A_23 = tpu.memref_slice %arg4[%dma_start3A_21, %dma_start3A_22] : memref<1000000x64xf32, #tpu.memory_space<hbm>> -> memref<1000000x64xf32, #tpu.memory_space<hbm>>
    tpu.enqueue_indirect_dma source(%dma_start3A_23 : memref<1000000x64xf32, #tpu.memory_space<hbm>>) target(%dma_start3A_17 : memref<128x64xf32, #tpu.memory_space<vmem>>) offsets(%dma_start3A_20 : memref<128xi32, #tpu.memory_space<vmem>>) semaphore(%arg12 : memref<!tpu.dma_semaphore, #tpu.memory_space<semaphore_mem>>)
    %dma_start3A_24 = arith.constant 2 : i32
    %dma_start3A_25 = arith.constant 256 : i32
    %dma_start3A_26 = arith.constant 0 : i32
    %dma_start3A_27 = tpu.memref_slice %arg10[%dma_start3A_25, %dma_start3A_26] : memref<512x64xf32, #tpu.memory_space<vmem>> -> memref<128x64xf32, #tpu.memory_space<vmem>>
    %dma_start3A_28 = arith.constant 0 : i32
    %dma_start3A_29 = tpu.memref_slice %arg8[%dma_start3A_24, %dma_start3A_28] : memref<4x128xi32, #tpu.memory_space<vmem>> -> memref<1x128xi32, #tpu.memory_space<vmem>>
    %dma_start3A_30 = tpu.memref_squeeze %dma_start3A_29 : memref<1x128xi32, #tpu.memory_space<vmem>> -> memref<128xi32, #tpu.memory_space<vmem>>
    %dma_start3A_31 = arith.constant 0 : i32
    %dma_start3A_32 = arith.constant 0 : i32
    %dma_start3A_33 = tpu.memref_slice %arg4[%dma_start3A_31, %dma_start3A_32] : memref<1000000x64xf32, #tpu.memory_space<hbm>> -> memref<1000000x64xf32, #tpu.memory_space<hbm>>
    tpu.enqueue_indirect_dma source(%dma_start3A_33 : memref<1000000x64xf32, #tpu.memory_space<hbm>>) target(%dma_start3A_27 : memref<128x64xf32, #tpu.memory_space<vmem>>) offsets(%dma_start3A_30 : memref<128xi32, #tpu.memory_space<vmem>>) semaphore(%arg12 : memref<!tpu.dma_semaphore, #tpu.memory_space<semaphore_mem>>)
    %dma_start3A_34 = arith.constant 3 : i32
    %dma_start3A_35 = arith.constant 384 : i32
    %dma_start3A_36 = arith.constant 0 : i32
    %dma_start3A_37 = tpu.memref_slice %arg10[%dma_start3A_35, %dma_start3A_36] : memref<512x64xf32, #tpu.memory_space<vmem>> -> memref<128x64xf32, #tpu.memory_space<vmem>>
    %dma_start3A_38 = arith.constant 0 : i32
    %dma_start3A_39 = tpu.memref_slice %arg8[%dma_start3A_34, %dma_start3A_38] : memref<4x128xi32, #tpu.memory_space<vmem>> -> memref<1x128xi32, #tpu.memory_space<vmem>>
    %dma_start3A_40 = tpu.memref_squeeze %dma_start3A_39 : memref<1x128xi32, #tpu.memory_space<vmem>> -> memref<128xi32, #tpu.memory_space<vmem>>
    %dma_start3A_41 = arith.constant 0 : i32
    %dma_start3A_42 = arith.constant 0 : i32
    %dma_start3A_43 = tpu.memref_slice %arg4[%dma_start3A_41, %dma_start3A_42] : memref<1000000x64xf32, #tpu.memory_space<hbm>> -> memref<1000000x64xf32, #tpu.memory_space<hbm>>
    tpu.enqueue_indirect_dma source(%dma_start3A_43 : memref<1000000x64xf32, #tpu.memory_space<hbm>>) target(%dma_start3A_37 : memref<128x64xf32, #tpu.memory_space<vmem>>) offsets(%dma_start3A_40 : memref<128xi32, #tpu.memory_space<vmem>>) semaphore(%arg12 : memref<!tpu.dma_semaphore, #tpu.memory_space<semaphore_mem>>)
    %dma_wait3A = arith.constant 0 : i32
    %dma_wait3A_44 = arith.constant 0 : i32
    %dma_wait3A_45 = tpu.memref_slice %arg10[%dma_wait3A, %dma_wait3A_44] : memref<512x64xf32, #tpu.memory_space<vmem>> -> memref<512x64xf32, #tpu.memory_space<vmem>>
    %dma_wait3A_46 = arith.constant 0 : i32
    %dma_wait3A_47 = arith.constant 0 : i32
    %dma_wait3A_48 = tpu.memref_slice %arg4[%dma_wait3A_46, %dma_wait3A_47] : memref<1000000x64xf32, #tpu.memory_space<hbm>> -> memref<512x64xf32, #tpu.memory_space<hbm>>
    %dma_wait3A_49 = arith.constant 0 : i32
    %dma_wait3A_50 = arith.constant 0 : i32
    %dma_wait3A_51 = tpu.memref_slice %arg10[%dma_wait3A_49, %dma_wait3A_50] : memref<512x64xf32, #tpu.memory_space<vmem>> -> memref<512x64xf32, #tpu.memory_space<vmem>>
    %dma_wait3A_52 = arith.constant 0 : i32
    %dma_wait3A_53 = arith.constant 0 : i32
    %dma_wait3A_54 = tpu.memref_slice %arg4[%dma_wait3A_52, %dma_wait3A_53] : memref<1000000x64xf32, #tpu.memory_space<hbm>> -> memref<512x64xf32, #tpu.memory_space<hbm>>
    tpu.wait_dma2 semaphore(%arg12 : memref<!tpu.dma_semaphore, #tpu.memory_space<semaphore_mem>>) src(%dma_wait3A_54 : memref<512x64xf32, #tpu.memory_space<hbm>>) dst(%dma_wait3A_51 : memref<512x64xf32, #tpu.memory_space<vmem>>)
    %mul3A_55 = arith.constant 128 : i32
    %mul3A_56 = arith.muli %mul3A_2, %mul3A_55 : i32
    "tpu.region"() ({
      %run_scoped3A = tpu.sem_alloc : memref<!tpu.dma_semaphore, #tpu.memory_space<semaphore_mem>>
      %dma_start3A_302 = arith.constant 0 : i32
      %dma_start3A_303 = arith.constant 0 : i32
      %dma_start3A_304 = tpu.memref_slice %arg10[%dma_start3A_302, %dma_start3A_303] : memref<512x64xf32, #tpu.memory_space<vmem>> -> memref<512x64xf32, #tpu.memory_space<vmem>>
      %dma_start3A_305 = arith.constant 0 : i32
      %dma_start3A_306 = tpu.memref_slice %arg6[%mul3A_56, %dma_start3A_305] : memref<16384x64xf32, #tpu.memory_space<hbm>> -> memref<512x64xf32, #tpu.memory_space<hbm>>
      %dma_start3A_307 = arith.constant 0 : i32
      %dma_start3A_308 = tpu.memref_slice %arg6[%mul3A_56, %dma_start3A_307] : memref<16384x64xf32, #tpu.memory_space<hbm>> -> memref<512x64xf32, #tpu.memory_space<hbm>>
      %dma_start3A_309 = arith.constant 0 : i32
      %dma_start3A_310 = arith.constant 0 : i32
      %dma_start3A_311 = tpu.memref_slice %arg10[%dma_start3A_309, %dma_start3A_310] : memref<512x64xf32, #tpu.memory_space<vmem>> -> memref<512x64xf32, #tpu.memory_space<vmem>>
      tpu.enqueue_dma source(%dma_start3A_311 : memref<512x64xf32, #tpu.memory_space<vmem>>) target(%dma_start3A_308 : memref<512x64xf32, #tpu.memory_space<hbm>>) target_semaphore(%run_scoped3A : memref<!tpu.dma_semaphore, #tpu.memory_space<semaphore_mem>>)
      %dma_wait3A_312 = arith.constant 0 : i32
      %dma_wait3A_313 = arith.constant 0 : i32
      %dma_wait3A_314 = tpu.memref_slice %arg10[%dma_wait3A_312, %dma_wait3A_313] : memref<512x64xf32, #tpu.memory_space<vmem>> -> memref<512x64xf32, #tpu.memory_space<vmem>>
      %dma_wait3A_315 = arith.constant 0 : i32
      %dma_wait3A_316 = tpu.memref_slice %arg6[%mul3A_56, %dma_wait3A_315] : memref<16384x64xf32, #tpu.memory_space<hbm>> -> memref<512x64xf32, #tpu.memory_space<hbm>>
      %dma_wait3A_317 = arith.constant 0 : i32
      %dma_wait3A_318 = tpu.memref_slice %arg6[%mul3A_56, %dma_wait3A_317] : memref<16384x64xf32, #tpu.memory_space<hbm>> -> memref<512x64xf32, #tpu.memory_space<hbm>>
      %dma_wait3A_319 = arith.constant 0 : i32
      %dma_wait3A_320 = arith.constant 0 : i32
      %dma_wait3A_321 = tpu.memref_slice %arg10[%dma_wait3A_319, %dma_wait3A_320] : memref<512x64xf32, #tpu.memory_space<vmem>> -> memref<512x64xf32, #tpu.memory_space<vmem>>
      tpu.wait_dma2 semaphore(%run_scoped3A : memref<!tpu.dma_semaphore, #tpu.memory_space<semaphore_mem>>) src(%dma_wait3A_321 : memref<512x64xf32, #tpu.memory_space<vmem>>) dst(%dma_wait3A_318 : memref<512x64xf32, #tpu.memory_space<hbm>>)
      tpu.yield
    }) : () -> ()
    %dma_start3A_57 = arith.constant 0 : i32
    %dma_start3A_58 = arith.constant 0 : i32
    %dma_start3A_59 = arith.constant 0 : i32
    %dma_start3A_60 = tpu.memref_slice %arg10[%dma_start3A_58, %dma_start3A_59] : memref<512x64xf32, #tpu.memory_space<vmem>> -> memref<128x64xf32, #tpu.memory_space<vmem>>
    %dma_start3A_61 = arith.constant 0 : i32
    %dma_start3A_62 = tpu.memref_slice %arg9[%dma_start3A_57, %dma_start3A_61] : memref<200x128xi32, #tpu.memory_space<vmem>> -> memref<1x128xi32, #tpu.memory_space<vmem>>
    %dma_start3A_63 = tpu.memref_squeeze %dma_start3A_62 : memref<1x128xi32, #tpu.memory_space<vmem>> -> memref<128xi32, #tpu.memory_space<vmem>>
    %dma_start3A_64 = arith.constant 0 : i32
    %dma_start3A_65 = arith.constant 0 : i32
    %dma_start3A_66 = tpu.memref_slice %arg5[%dma_start3A_64, %dma_start3A_65] : memref<1000000x64xf32, #tpu.memory_space<hbm>> -> memref<1000000x64xf32, #tpu.memory_space<hbm>>
    tpu.enqueue_indirect_dma source(%dma_start3A_66 : memref<1000000x64xf32, #tpu.memory_space<hbm>>) target(%dma_start3A_60 : memref<128x64xf32, #tpu.memory_space<vmem>>) offsets(%dma_start3A_63 : memref<128xi32, #tpu.memory_space<vmem>>) semaphore(%arg13 : memref<!tpu.dma_semaphore, #tpu.memory_space<semaphore_mem>>)
    %dma_start3A_67 = arith.constant 1 : i32
    %dma_start3A_68 = arith.constant 128 : i32
    %dma_start3A_69 = arith.constant 0 : i32
    %dma_start3A_70 = tpu.memref_slice %arg10[%dma_start3A_68, %dma_start3A_69] : memref<512x64xf32, #tpu.memory_space<vmem>> -> memref<128x64xf32, #tpu.memory_space<vmem>>
    %dma_start3A_71 = arith.constant 0 : i32
    %dma_start3A_72 = tpu.memref_slice %arg9[%dma_start3A_67, %dma_start3A_71] : memref<200x128xi32, #tpu.memory_space<vmem>> -> memref<1x128xi32, #tpu.memory_space<vmem>>
    %dma_start3A_73 = tpu.memref_squeeze %dma_start3A_72 : memref<1x128xi32, #tpu.memory_space<vmem>> -> memref<128xi32, #tpu.memory_space<vmem>>
    %dma_start3A_74 = arith.constant 0 : i32
    %dma_start3A_75 = arith.constant 0 : i32
    %dma_start3A_76 = tpu.memref_slice %arg5[%dma_start3A_74, %dma_start3A_75] : memref<1000000x64xf32, #tpu.memory_space<hbm>> -> memref<1000000x64xf32, #tpu.memory_space<hbm>>
    tpu.enqueue_indirect_dma source(%dma_start3A_76 : memref<1000000x64xf32, #tpu.memory_space<hbm>>) target(%dma_start3A_70 : memref<128x64xf32, #tpu.memory_space<vmem>>) offsets(%dma_start3A_73 : memref<128xi32, #tpu.memory_space<vmem>>) semaphore(%arg13 : memref<!tpu.dma_semaphore, #tpu.memory_space<semaphore_mem>>)
    %dma_start3A_77 = arith.constant 2 : i32
    %dma_start3A_78 = arith.constant 256 : i32
    %dma_start3A_79 = arith.constant 0 : i32
    %dma_start3A_80 = tpu.memref_slice %arg10[%dma_start3A_78, %dma_start3A_79] : memref<512x64xf32, #tpu.memory_space<vmem>> -> memref<128x64xf32, #tpu.memory_space<vmem>>
    %dma_start3A_81 = arith.constant 0 : i32
    %dma_start3A_82 = tpu.memref_slice %arg9[%dma_start3A_77, %dma_start3A_81] : memref<200x128xi32, #tpu.memory_space<vmem>> -> memref<1x128xi32, #tpu.memory_space<vmem>>
    %dma_start3A_83 = tpu.memref_squeeze %dma_start3A_82 : memref<1x128xi32, #tpu.memory_space<vmem>> -> memref<128xi32, #tpu.memory_space<vmem>>
    %dma_start3A_84 = arith.constant 0 : i32
    %dma_start3A_85 = arith.constant 0 : i32
    %dma_start3A_86 = tpu.memref_slice %arg5[%dma_start3A_84, %dma_start3A_85] : memref<1000000x64xf32, #tpu.memory_space<hbm>> -> memref<1000000x64xf32, #tpu.memory_space<hbm>>
    tpu.enqueue_indirect_dma source(%dma_start3A_86 : memref<1000000x64xf32, #tpu.memory_space<hbm>>) target(%dma_start3A_80 : memref<128x64xf32, #tpu.memory_space<vmem>>) offsets(%dma_start3A_83 : memref<128xi32, #tpu.memory_space<vmem>>) semaphore(%arg13 : memref<!tpu.dma_semaphore, #tpu.memory_space<semaphore_mem>>)
    %dma_start3A_87 = arith.constant 3 : i32
    %dma_start3A_88 = arith.constant 384 : i32
    %dma_start3A_89 = arith.constant 0 : i32
    %dma_start3A_90 = tpu.memref_slice %arg10[%dma_start3A_88, %dma_start3A_89] : memref<512x64xf32, #tpu.memory_space<vmem>> -> memref<128x64xf32, #tpu.memory_space<vmem>>
    %dma_start3A_91 = arith.constant 0 : i32
    %dma_start3A_92 = tpu.memref_slice %arg9[%dma_start3A_87, %dma_start3A_91] : memref<200x128xi32, #tpu.memory_space<vmem>> -> memref<1x128xi32, #tpu.memory_space<vmem>>
    %dma_start3A_93 = tpu.memref_squeeze %dma_start3A_92 : memref<1x128xi32, #tpu.memory_space<vmem>> -> memref<128xi32, #tpu.memory_space<vmem>>
    %dma_start3A_94 = arith.constant 0 : i32
    %dma_start3A_95 = arith.constant 0 : i32
    %dma_start3A_96 = tpu.memref_slice %arg5[%dma_start3A_94, %dma_start3A_95] : memref<1000000x64xf32, #tpu.memory_space<hbm>> -> memref<1000000x64xf32, #tpu.memory_space<hbm>>
    tpu.enqueue_indirect_dma source(%dma_start3A_96 : memref<1000000x64xf32, #tpu.memory_space<hbm>>) target(%dma_start3A_90 : memref<128x64xf32, #tpu.memory_space<vmem>>) offsets(%dma_start3A_93 : memref<128xi32, #tpu.memory_space<vmem>>) semaphore(%arg13 : memref<!tpu.dma_semaphore, #tpu.memory_space<semaphore_mem>>)
    %dma_start3A_97 = arith.constant 4 : i32
    %dma_start3A_98 = arith.constant 0 : i32
    %dma_start3A_99 = arith.constant 0 : i32
    %dma_start3A_100 = tpu.memref_slice %arg11[%dma_start3A_98, %dma_start3A_99] : memref<512x64xf32, #tpu.memory_space<vmem>> -> memref<128x64xf32, #tpu.memory_space<vmem>>
    %dma_start3A_101 = arith.constant 0 : i32
    %dma_start3A_102 = tpu.memref_slice %arg9[%dma_start3A_97, %dma_start3A_101] : memref<200x128xi32, #tpu.memory_space<vmem>> -> memref<1x128xi32, #tpu.memory_space<vmem>>
    %dma_start3A_103 = tpu.memref_squeeze %dma_start3A_102 : memref<1x128xi32, #tpu.memory_space<vmem>> -> memref<128xi32, #tpu.memory_space<vmem>>
    %dma_start3A_104 = arith.constant 0 : i32
    %dma_start3A_105 = arith.constant 0 : i32
    %dma_start3A_106 = tpu.memref_slice %arg5[%dma_start3A_104, %dma_start3A_105] : memref<1000000x64xf32, #tpu.memory_space<hbm>> -> memref<1000000x64xf32, #tpu.memory_space<hbm>>
    tpu.enqueue_indirect_dma source(%dma_start3A_106 : memref<1000000x64xf32, #tpu.memory_space<hbm>>) target(%dma_start3A_100 : memref<128x64xf32, #tpu.memory_space<vmem>>) offsets(%dma_start3A_103 : memref<128xi32, #tpu.memory_space<vmem>>) semaphore(%arg14 : memref<!tpu.dma_semaphore, #tpu.memory_space<semaphore_mem>>)
    %dma_start3A_107 = arith.constant 5 : i32
    %dma_start3A_108 = arith.constant 128 : i32
    %dma_start3A_109 = arith.constant 0 : i32
    %dma_start3A_110 = tpu.memref_slice %arg11[%dma_start3A_108, %dma_start3A_109] : memref<512x64xf32, #tpu.memory_space<vmem>> -> memref<128x64xf32, #tpu.memory_space<vmem>>
    %dma_start3A_111 = arith.constant 0 : i32
    %dma_start3A_112 = tpu.memref_slice %arg9[%dma_start3A_107, %dma_start3A_111] : memref<200x128xi32, #tpu.memory_space<vmem>> -> memref<1x128xi32, #tpu.memory_space<vmem>>
    %dma_start3A_113 = tpu.memref_squeeze %dma_start3A_112 : memref<1x128xi32, #tpu.memory_space<vmem>> -> memref<128xi32, #tpu.memory_space<vmem>>
    %dma_start3A_114 = arith.constant 0 : i32
    %dma_start3A_115 = arith.constant 0 : i32
    %dma_start3A_116 = tpu.memref_slice %arg5[%dma_start3A_114, %dma_start3A_115] : memref<1000000x64xf32, #tpu.memory_space<hbm>> -> memref<1000000x64xf32, #tpu.memory_space<hbm>>
    tpu.enqueue_indirect_dma source(%dma_start3A_116 : memref<1000000x64xf32, #tpu.memory_space<hbm>>) target(%dma_start3A_110 : memref<128x64xf32, #tpu.memory_space<vmem>>) offsets(%dma_start3A_113 : memref<128xi32, #tpu.memory_space<vmem>>) semaphore(%arg14 : memref<!tpu.dma_semaphore, #tpu.memory_space<semaphore_mem>>)
    %dma_start3A_117 = arith.constant 6 : i32
    %dma_start3A_118 = arith.constant 256 : i32
    %dma_start3A_119 = arith.constant 0 : i32
    %dma_start3A_120 = tpu.memref_slice %arg11[%dma_start3A_118, %dma_start3A_119] : memref<512x64xf32, #tpu.memory_space<vmem>> -> memref<128x64xf32, #tpu.memory_space<vmem>>
    %dma_start3A_121 = arith.constant 0 : i32
    %dma_start3A_122 = tpu.memref_slice %arg9[%dma_start3A_117, %dma_start3A_121] : memref<200x128xi32, #tpu.memory_space<vmem>> -> memref<1x128xi32, #tpu.memory_space<vmem>>
    %dma_start3A_123 = tpu.memref_squeeze %dma_start3A_122 : memref<1x128xi32, #tpu.memory_space<vmem>> -> memref<128xi32, #tpu.memory_space<vmem>>
    %dma_start3A_124 = arith.constant 0 : i32
    %dma_start3A_125 = arith.constant 0 : i32
    %dma_start3A_126 = tpu.memref_slice %arg5[%dma_start3A_124, %dma_start3A_125] : memref<1000000x64xf32, #tpu.memory_space<hbm>> -> memref<1000000x64xf32, #tpu.memory_space<hbm>>
    tpu.enqueue_indirect_dma source(%dma_start3A_126 : memref<1000000x64xf32, #tpu.memory_space<hbm>>) target(%dma_start3A_120 : memref<128x64xf32, #tpu.memory_space<vmem>>) offsets(%dma_start3A_123 : memref<128xi32, #tpu.memory_space<vmem>>) semaphore(%arg14 : memref<!tpu.dma_semaphore, #tpu.memory_space<semaphore_mem>>)
    %dma_start3A_127 = arith.constant 7 : i32
    %dma_start3A_128 = arith.constant 384 : i32
    %dma_start3A_129 = arith.constant 0 : i32
    %dma_start3A_130 = tpu.memref_slice %arg11[%dma_start3A_128, %dma_start3A_129] : memref<512x64xf32, #tpu.memory_space<vmem>> -> memref<128x64xf32, #tpu.memory_space<vmem>>
    %dma_start3A_131 = arith.constant 0 : i32
    %dma_start3A_132 = tpu.memref_slice %arg9[%dma_start3A_127, %dma_start3A_131] : memref<200x128xi32, #tpu.memory_space<vmem>> -> memref<1x128xi32, #tpu.memory_space<vmem>>
    %dma_start3A_133 = tpu.memref_squeeze %dma_start3A_132 : memref<1x128xi32, #tpu.memory_space<vmem>> -> memref<128xi32, #tpu.memory_space<vmem>>
    %dma_start3A_134 = arith.constant 0 : i32
    %dma_start3A_135 = arith.constant 0 : i32
    %dma_start3A_136 = tpu.memref_slice %arg5[%dma_start3A_134, %dma_start3A_135] : memref<1000000x64xf32, #tpu.memory_space<hbm>> -> memref<1000000x64xf32, #tpu.memory_space<hbm>>
    tpu.enqueue_indirect_dma source(%dma_start3A_136 : memref<1000000x64xf32, #tpu.memory_space<hbm>>) target(%dma_start3A_130 : memref<128x64xf32, #tpu.memory_space<vmem>>) offsets(%dma_start3A_133 : memref<128xi32, #tpu.memory_space<vmem>>) semaphore(%arg14 : memref<!tpu.dma_semaphore, #tpu.memory_space<semaphore_mem>>)
    %dma_wait3A_137 = arith.constant 0 : i32
    %dma_wait3A_138 = arith.constant 0 : i32
    %dma_wait3A_139 = tpu.memref_slice %arg5[%dma_wait3A_137, %dma_wait3A_138] : memref<1000000x64xf32, #tpu.memory_space<hbm>> -> memref<512x64xf32, #tpu.memory_space<hbm>>
    %dma_wait3A_140 = arith.constant 0 : i32
    %dma_wait3A_141 = arith.constant 0 : i32
    %dma_wait3A_142 = tpu.memref_slice %arg5[%dma_wait3A_140, %dma_wait3A_141] : memref<1000000x64xf32, #tpu.memory_space<hbm>> -> memref<512x64xf32, #tpu.memory_space<hbm>>
    tpu.wait_dma2 semaphore(%arg13 : memref<!tpu.dma_semaphore, #tpu.memory_space<semaphore_mem>>) src(%dma_wait3A_142 : memref<512x64xf32, #tpu.memory_space<hbm>>) dst(%arg10 : memref<512x64xf32, #tpu.memory_space<vmem>>)
    %mul3A_143 = arith.constant 128 : i32
    %mul3A_144 = arith.muli %mul3A_4, %mul3A_143 : i32
    %add3A_145 = arith.constant 0 : i32
    %add3A_146 = arith.addi %mul3A_144, %add3A_145 : i32
    %dma_start3A_147 = arith.constant 0 : i32
    %dma_start3A_148 = tpu.memref_slice %arg7[%add3A_146, %dma_start3A_147] : memref<819200x64xf32, #tpu.memory_space<hbm>> -> memref<512x64xf32, #tpu.memory_space<hbm>>
    %dma_start3A_149 = arith.constant 0 : i32
    %dma_start3A_150 = tpu.memref_slice %arg7[%add3A_146, %dma_start3A_149] : memref<819200x64xf32, #tpu.memory_space<hbm>> -> memref<512x64xf32, #tpu.memory_space<hbm>>
    tpu.enqueue_dma source(%arg10 : memref<512x64xf32, #tpu.memory_space<vmem>>) target(%dma_start3A_150 : memref<512x64xf32, #tpu.memory_space<hbm>>) target_semaphore(%arg15 : memref<!tpu.dma_semaphore, #tpu.memory_space<semaphore_mem>>)
    %dma_wait3A_151 = arith.constant 0 : i32
    %dma_wait3A_152 = arith.constant 0 : i32
    %dma_wait3A_153 = tpu.memref_slice %arg7[%dma_wait3A_151, %dma_wait3A_152] : memref<819200x64xf32, #tpu.memory_space<hbm>> -> memref<512x64xf32, #tpu.memory_space<hbm>>
    %dma_wait3A_154 = arith.constant 0 : i32
    %dma_wait3A_155 = arith.constant 0 : i32
    %dma_wait3A_156 = tpu.memref_slice %arg7[%dma_wait3A_154, %dma_wait3A_155] : memref<819200x64xf32, #tpu.memory_space<hbm>> -> memref<512x64xf32, #tpu.memory_space<hbm>>
    tpu.wait_dma2 semaphore(%arg15 : memref<!tpu.dma_semaphore, #tpu.memory_space<semaphore_mem>>) src(%arg10 : memref<512x64xf32, #tpu.memory_space<vmem>>) dst(%dma_wait3A_156 : memref<512x64xf32, #tpu.memory_space<hbm>>)
    %dma_start3A_157 = arith.constant 8 : i32
    %dma_start3A_158 = arith.constant 0 : i32
    %dma_start3A_159 = arith.constant 0 : i32
    %dma_start3A_160 = tpu.memref_slice %arg10[%dma_start3A_158, %dma_start3A_159] : memref<512x64xf32, #tpu.memory_space<vmem>> -> memref<128x64xf32, #tpu.memory_space<vmem>>
    %dma_start3A_161 = arith.constant 0 : i32
    %dma_start3A_162 = tpu.memref_slice %arg9[%dma_start3A_157, %dma_start3A_161] : memref<200x128xi32, #tpu.memory_space<vmem>> -> memref<1x128xi32, #tpu.memory_space<vmem>>
    %dma_start3A_163 = tpu.memref_squeeze %dma_start3A_162 : memref<1x128xi32, #tpu.memory_space<vmem>> -> memref<128xi32, #tpu.memory_space<vmem>>
    %dma_start3A_164 = arith.constant 0 : i32
    %dma_start3A_165 = arith.constant 0 : i32
    %dma_start3A_166 = tpu.memref_slice %arg5[%dma_start3A_164, %dma_start3A_165] : memref<1000000x64xf32, #tpu.memory_space<hbm>> -> memref<1000000x64xf32, #tpu.memory_space<hbm>>
    tpu.enqueue_indirect_dma source(%dma_start3A_166 : memref<1000000x64xf32, #tpu.memory_space<hbm>>) target(%dma_start3A_160 : memref<128x64xf32, #tpu.memory_space<vmem>>) offsets(%dma_start3A_163 : memref<128xi32, #tpu.memory_space<vmem>>) semaphore(%arg13 : memref<!tpu.dma_semaphore, #tpu.memory_space<semaphore_mem>>)
    %dma_start3A_167 = arith.constant 9 : i32
    %dma_start3A_168 = arith.constant 128 : i32
    %dma_start3A_169 = arith.constant 0 : i32
    %dma_start3A_170 = tpu.memref_slice %arg10[%dma_start3A_168, %dma_start3A_169] : memref<512x64xf32, #tpu.memory_space<vmem>> -> memref<128x64xf32, #tpu.memory_space<vmem>>
    %dma_start3A_171 = arith.constant 0 : i32
    %dma_start3A_172 = tpu.memref_slice %arg9[%dma_start3A_167, %dma_start3A_171] : memref<200x128xi32, #tpu.memory_space<vmem>> -> memref<1x128xi32, #tpu.memory_space<vmem>>
    %dma_start3A_173 = tpu.memref_squeeze %dma_start3A_172 : memref<1x128xi32, #tpu.memory_space<vmem>> -> memref<128xi32, #tpu.memory_space<vmem>>
    %dma_start3A_174 = arith.constant 0 : i32
    %dma_start3A_175 = arith.constant 0 : i32
    %dma_start3A_176 = tpu.memref_slice %arg5[%dma_start3A_174, %dma_start3A_175] : memref<1000000x64xf32, #tpu.memory_space<hbm>> -> memref<1000000x64xf32, #tpu.memory_space<hbm>>
    tpu.enqueue_indirect_dma source(%dma_start3A_176 : memref<1000000x64xf32, #tpu.memory_space<hbm>>) target(%dma_start3A_170 : memref<128x64xf32, #tpu.memory_space<vmem>>) offsets(%dma_start3A_173 : memref<128xi32, #tpu.memory_space<vmem>>) semaphore(%arg13 : memref<!tpu.dma_semaphore, #tpu.memory_space<semaphore_mem>>)
    %dma_start3A_177 = arith.constant 10 : i32
    %dma_start3A_178 = arith.constant 256 : i32
    %dma_start3A_179 = arith.constant 0 : i32
    %dma_start3A_180 = tpu.memref_slice %arg10[%dma_start3A_178, %dma_start3A_179] : memref<512x64xf32, #tpu.memory_space<vmem>> -> memref<128x64xf32, #tpu.memory_space<vmem>>
    %dma_start3A_181 = arith.constant 0 : i32
    %dma_start3A_182 = tpu.memref_slice %arg9[%dma_start3A_177, %dma_start3A_181] : memref<200x128xi32, #tpu.memory_space<vmem>> -> memref<1x128xi32, #tpu.memory_space<vmem>>
    %dma_start3A_183 = tpu.memref_squeeze %dma_start3A_182 : memref<1x128xi32, #tpu.memory_space<vmem>> -> memref<128xi32, #tpu.memory_space<vmem>>
    %dma_start3A_184 = arith.constant 0 : i32
    %dma_start3A_185 = arith.constant 0 : i32
    %dma_start3A_186 = tpu.memref_slice %arg5[%dma_start3A_184, %dma_start3A_185] : memref<1000000x64xf32, #tpu.memory_space<hbm>> -> memref<1000000x64xf32, #tpu.memory_space<hbm>>
    tpu.enqueue_indirect_dma source(%dma_start3A_186 : memref<1000000x64xf32, #tpu.memory_space<hbm>>) target(%dma_start3A_180 : memref<128x64xf32, #tpu.memory_space<vmem>>) offsets(%dma_start3A_183 : memref<128xi32, #tpu.memory_space<vmem>>) semaphore(%arg13 : memref<!tpu.dma_semaphore, #tpu.memory_space<semaphore_mem>>)
    %dma_start3A_187 = arith.constant 11 : i32
    %dma_start3A_188 = arith.constant 384 : i32
    %dma_start3A_189 = arith.constant 0 : i32
    %dma_start3A_190 = tpu.memref_slice %arg10[%dma_start3A_188, %dma_start3A_189] : memref<512x64xf32, #tpu.memory_space<vmem>> -> memref<128x64xf32, #tpu.memory_space<vmem>>
    %dma_start3A_191 = arith.constant 0 : i32
    %dma_start3A_192 = tpu.memref_slice %arg9[%dma_start3A_187, %dma_start3A_191] : memref<200x128xi32, #tpu.memory_space<vmem>> -> memref<1x128xi32, #tpu.memory_space<vmem>>
    %dma_start3A_193 = tpu.memref_squeeze %dma_start3A_192 : memref<1x128xi32, #tpu.memory_space<vmem>> -> memref<128xi32, #tpu.memory_space<vmem>>
    %dma_start3A_194 = arith.constant 0 : i32
    %dma_start3A_195 = arith.constant 0 : i32
    %dma_start3A_196 = tpu.memref_slice %arg5[%dma_start3A_194, %dma_start3A_195] : memref<1000000x64xf32, #tpu.memory_space<hbm>> -> memref<1000000x64xf32, #tpu.memory_space<hbm>>
    tpu.enqueue_indirect_dma source(%dma_start3A_196 : memref<1000000x64xf32, #tpu.memory_space<hbm>>) target(%dma_start3A_190 : memref<128x64xf32, #tpu.memory_space<vmem>>) offsets(%dma_start3A_193 : memref<128xi32, #tpu.memory_space<vmem>>) semaphore(%arg13 : memref<!tpu.dma_semaphore, #tpu.memory_space<semaphore_mem>>)
    %dma_wait3A_197 = arith.constant 0 : i32
    %dma_wait3A_198 = arith.constant 0 : i32
    %dma_wait3A_199 = tpu.memref_slice %arg5[%dma_wait3A_197, %dma_wait3A_198] : memref<1000000x64xf32, #tpu.memory_space<hbm>> -> memref<512x64xf32, #tpu.memory_space<hbm>>
    %dma_wait3A_200 = arith.constant 0 : i32
    %dma_wait3A_201 = arith.constant 0 : i32
    %dma_wait3A_202 = tpu.memref_slice %arg5[%dma_wait3A_200, %dma_wait3A_201] : memref<1000000x64xf32, #tpu.memory_space<hbm>> -> memref<512x64xf32, #tpu.memory_space<hbm>>
    tpu.wait_dma2 semaphore(%arg14 : memref<!tpu.dma_semaphore, #tpu.memory_space<semaphore_mem>>) src(%dma_wait3A_202 : memref<512x64xf32, #tpu.memory_space<hbm>>) dst(%arg11 : memref<512x64xf32, #tpu.memory_space<vmem>>)
    %mul3A_203 = arith.constant 128 : i32
    %mul3A_204 = arith.muli %mul3A_4, %mul3A_203 : i32
    %add3A_205 = arith.constant 512 : i32
    %add3A_206 = arith.addi %mul3A_204, %add3A_205 : i32
    %dma_start3A_207 = arith.constant 0 : i32
    %dma_start3A_208 = tpu.memref_slice %arg7[%add3A_206, %dma_start3A_207] : memref<819200x64xf32, #tpu.memory_space<hbm>> -> memref<512x64xf32, #tpu.memory_space<hbm>>
    %dma_start3A_209 = arith.constant 0 : i32
    %dma_start3A_210 = tpu.memref_slice %arg7[%add3A_206, %dma_start3A_209] : memref<819200x64xf32, #tpu.memory_space<hbm>> -> memref<512x64xf32, #tpu.memory_space<hbm>>
    tpu.enqueue_dma source(%arg11 : memref<512x64xf32, #tpu.memory_space<vmem>>) target(%dma_start3A_210 : memref<512x64xf32, #tpu.memory_space<hbm>>) target_semaphore(%arg16 : memref<!tpu.dma_semaphore, #tpu.memory_space<semaphore_mem>>)
    %scan3A = arith.constant 0 : i32
    %scan3A_211 = arith.constant 1 : i32
    %scan3A_212 = arith.constant 23 : i32
    %scan3A_213 = arith.addi %scan3A_211, %scan3A_212 : i32
    %scan3A_214 = arith.constant 1 : i32
    scf.for %scan3A_302 = %scan3A_211 to %scan3A_213 step %scan3A_214  : i32 {
      %mul3A_303 = arith.constant 2 : i32
      %mul3A_304 = arith.muli %mul3A_303, %scan3A_302 : i32
      %dma_wait3A_305 = arith.constant 0 : i32
      %dma_wait3A_306 = arith.constant 0 : i32
      %dma_wait3A_307 = tpu.memref_slice %arg7[%dma_wait3A_305, %dma_wait3A_306] : memref<819200x64xf32, #tpu.memory_space<hbm>> -> memref<512x64xf32, #tpu.memory_space<hbm>>
      %dma_wait3A_308 = arith.constant 0 : i32
      %dma_wait3A_309 = arith.constant 0 : i32
      %dma_wait3A_310 = tpu.memref_slice %arg7[%dma_wait3A_308, %dma_wait3A_309] : memref<819200x64xf32, #tpu.memory_space<hbm>> -> memref<512x64xf32, #tpu.memory_space<hbm>>
      tpu.wait_dma2 semaphore(%arg16 : memref<!tpu.dma_semaphore, #tpu.memory_space<semaphore_mem>>) src(%arg11 : memref<512x64xf32, #tpu.memory_space<vmem>>) dst(%dma_wait3A_310 : memref<512x64xf32, #tpu.memory_space<hbm>>)
      %add3A_311 = arith.constant 1 : i32
      %add3A_312 = arith.addi %mul3A_304, %add3A_311 : i32
      %mul3A_313 = arith.constant 4 : i32
      %mul3A_314 = arith.muli %add3A_312, %mul3A_313 : i32
      %add3A_315 = arith.constant 0 : i32
      %add3A_316 = arith.addi %mul3A_314, %add3A_315 : i32
      %dma_start3A_317 = arith.constant 0 : i32
      %dma_start3A_318 = arith.constant 0 : i32
      %dma_start3A_319 = tpu.memref_slice %arg11[%dma_start3A_317, %dma_start3A_318] : memref<512x64xf32, #tpu.memory_space<vmem>> -> memref<128x64xf32, #tpu.memory_space<vmem>>
      %dma_start3A_320 = arith.constant 0 : i32
      %dma_start3A_321 = tpu.memref_slice %arg9[%add3A_316, %dma_start3A_320] : memref<200x128xi32, #tpu.memory_space<vmem>> -> memref<1x128xi32, #tpu.memory_space<vmem>>
      %dma_start3A_322 = tpu.memref_squeeze %dma_start3A_321 : memref<1x128xi32, #tpu.memory_space<vmem>> -> memref<128xi32, #tpu.memory_space<vmem>>
      %dma_start3A_323 = arith.constant 0 : i32
      %dma_start3A_324 = arith.constant 0 : i32
      %dma_start3A_325 = tpu.memref_slice %arg5[%dma_start3A_323, %dma_start3A_324] : memref<1000000x64xf32, #tpu.memory_space<hbm>> -> memref<1000000x64xf32, #tpu.memory_space<hbm>>
      tpu.enqueue_indirect_dma source(%dma_start3A_325 : memref<1000000x64xf32, #tpu.memory_space<hbm>>) target(%dma_start3A_319 : memref<128x64xf32, #tpu.memory_space<vmem>>) offsets(%dma_start3A_322 : memref<128xi32, #tpu.memory_space<vmem>>) semaphore(%arg14 : memref<!tpu.dma_semaphore, #tpu.memory_space<semaphore_mem>>)
      %mul3A_326 = arith.constant 4 : i32
      %mul3A_327 = arith.muli %add3A_312, %mul3A_326 : i32
      %add3A_328 = arith.constant 1 : i32
      %add3A_329 = arith.addi %mul3A_327, %add3A_328 : i32
      %dma_start3A_330 = arith.constant 128 : i32
      %dma_start3A_331 = arith.constant 0 : i32
      %dma_start3A_332 = tpu.memref_slice %arg11[%dma_start3A_330, %dma_start3A_331] : memref<512x64xf32, #tpu.memory_space<vmem>> -> memref<128x64xf32, #tpu.memory_space<vmem>>
      %dma_start3A_333 = arith.constant 0 : i32
      %dma_start3A_334 = tpu.memref_slice %arg9[%add3A_329, %dma_start3A_333] : memref<200x128xi32, #tpu.memory_space<vmem>> -> memref<1x128xi32, #tpu.memory_space<vmem>>
      %dma_start3A_335 = tpu.memref_squeeze %dma_start3A_334 : memref<1x128xi32, #tpu.memory_space<vmem>> -> memref<128xi32, #tpu.memory_space<vmem>>
      %dma_start3A_336 = arith.constant 0 : i32
      %dma_start3A_337 = arith.constant 0 : i32
      %dma_start3A_338 = tpu.memref_slice %arg5[%dma_start3A_336, %dma_start3A_337] : memref<1000000x64xf32, #tpu.memory_space<hbm>> -> memref<1000000x64xf32, #tpu.memory_space<hbm>>
      tpu.enqueue_indirect_dma source(%dma_start3A_338 : memref<1000000x64xf32, #tpu.memory_space<hbm>>) target(%dma_start3A_332 : memref<128x64xf32, #tpu.memory_space<vmem>>) offsets(%dma_start3A_335 : memref<128xi32, #tpu.memory_space<vmem>>) semaphore(%arg14 : memref<!tpu.dma_semaphore, #tpu.memory_space<semaphore_mem>>)
      %mul3A_339 = arith.constant 4 : i32
      %mul3A_340 = arith.muli %add3A_312, %mul3A_339 : i32
      %add3A_341 = arith.constant 2 : i32
      %add3A_342 = arith.addi %mul3A_340, %add3A_341 : i32
      %dma_start3A_343 = arith.constant 256 : i32
      %dma_start3A_344 = arith.constant 0 : i32
      %dma_start3A_345 = tpu.memref_slice %arg11[%dma_start3A_343, %dma_start3A_344] : memref<512x64xf32, #tpu.memory_space<vmem>> -> memref<128x64xf32, #tpu.memory_space<vmem>>
      %dma_start3A_346 = arith.constant 0 : i32
      %dma_start3A_347 = tpu.memref_slice %arg9[%add3A_342, %dma_start3A_346] : memref<200x128xi32, #tpu.memory_space<vmem>> -> memref<1x128xi32, #tpu.memory_space<vmem>>
      %dma_start3A_348 = tpu.memref_squeeze %dma_start3A_347 : memref<1x128xi32, #tpu.memory_space<vmem>> -> memref<128xi32, #tpu.memory_space<vmem>>
      %dma_start3A_349 = arith.constant 0 : i32
      %dma_start3A_350 = arith.constant 0 : i32
      %dma_start3A_351 = tpu.memref_slice %arg5[%dma_start3A_349, %dma_start3A_350] : memref<1000000x64xf32, #tpu.memory_space<hbm>> -> memref<1000000x64xf32, #tpu.memory_space<hbm>>
      tpu.enqueue_indirect_dma source(%dma_start3A_351 : memref<1000000x64xf32, #tpu.memory_space<hbm>>) target(%dma_start3A_345 : memref<128x64xf32, #tpu.memory_space<vmem>>) offsets(%dma_start3A_348 : memref<128xi32, #tpu.memory_space<vmem>>) semaphore(%arg14 : memref<!tpu.dma_semaphore, #tpu.memory_space<semaphore_mem>>)
      %mul3A_352 = arith.constant 4 : i32
      %mul3A_353 = arith.muli %add3A_312, %mul3A_352 : i32
      %add3A_354 = arith.constant 3 : i32
      %add3A_355 = arith.addi %mul3A_353, %add3A_354 : i32
      %dma_start3A_356 = arith.constant 384 : i32
      %dma_start3A_357 = arith.constant 0 : i32
      %dma_start3A_358 = tpu.memref_slice %arg11[%dma_start3A_356, %dma_start3A_357] : memref<512x64xf32, #tpu.memory_space<vmem>> -> memref<128x64xf32, #tpu.memory_space<vmem>>
      %dma_start3A_359 = arith.constant 0 : i32
      %dma_start3A_360 = tpu.memref_slice %arg9[%add3A_355, %dma_start3A_359] : memref<200x128xi32, #tpu.memory_space<vmem>> -> memref<1x128xi32, #tpu.memory_space<vmem>>
      %dma_start3A_361 = tpu.memref_squeeze %dma_start3A_360 : memref<1x128xi32, #tpu.memory_space<vmem>> -> memref<128xi32, #tpu.memory_space<vmem>>
      %dma_start3A_362 = arith.constant 0 : i32
      %dma_start3A_363 = arith.constant 0 : i32
      %dma_start3A_364 = tpu.memref_slice %arg5[%dma_start3A_362, %dma_start3A_363] : memref<1000000x64xf32, #tpu.memory_space<hbm>> -> memref<1000000x64xf32, #tpu.memory_space<hbm>>
      tpu.enqueue_indirect_dma source(%dma_start3A_364 : memref<1000000x64xf32, #tpu.memory_space<hbm>>) target(%dma_start3A_358 : memref<128x64xf32, #tpu.memory_space<vmem>>) offsets(%dma_start3A_361 : memref<128xi32, #tpu.memory_space<vmem>>) semaphore(%arg14 : memref<!tpu.dma_semaphore, #tpu.memory_space<semaphore_mem>>)
      %dma_wait3A_365 = arith.constant 0 : i32
      %dma_wait3A_366 = arith.constant 0 : i32
      %dma_wait3A_367 = tpu.memref_slice %arg5[%dma_wait3A_365, %dma_wait3A_366] : memref<1000000x64xf32, #tpu.memory_space<hbm>> -> memref<512x64xf32, #tpu.memory_space<hbm>>
      %dma_wait3A_368 = arith.constant 0 : i32
      %dma_wait3A_369 = arith.constant 0 : i32
      %dma_wait3A_370 = tpu.memref_slice %arg5[%dma_wait3A_368, %dma_wait3A_369] : memref<1000000x64xf32, #tpu.memory_space<hbm>> -> memref<512x64xf32, #tpu.memory_space<hbm>>
      tpu.wait_dma2 semaphore(%arg13 : memref<!tpu.dma_semaphore, #tpu.memory_space<semaphore_mem>>) src(%dma_wait3A_370 : memref<512x64xf32, #tpu.memory_space<hbm>>) dst(%arg10 : memref<512x64xf32, #tpu.memory_space<vmem>>)
      %mul3A_371 = arith.constant 128 : i32
      %mul3A_372 = arith.muli %mul3A_4, %mul3A_371 : i32
      %mul3A_373 = arith.constant 512 : i32
      %mul3A_374 = arith.muli %mul3A_304, %mul3A_373 : i32
      %add3A_375 = arith.addi %mul3A_372, %mul3A_374 : i32
      %dma_start3A_376 = arith.constant 0 : i32
      %dma_start3A_377 = tpu.memref_slice %arg7[%add3A_375, %dma_start3A_376] : memref<819200x64xf32, #tpu.memory_space<hbm>> -> memref<512x64xf32, #tpu.memory_space<hbm>>
      %dma_start3A_378 = arith.constant 0 : i32
      %dma_start3A_379 = tpu.memref_slice %arg7[%add3A_375, %dma_start3A_378] : memref<819200x64xf32, #tpu.memory_space<hbm>> -> memref<512x64xf32, #tpu.memory_space<hbm>>
      tpu.enqueue_dma source(%arg10 : memref<512x64xf32, #tpu.memory_space<vmem>>) target(%dma_start3A_379 : memref<512x64xf32, #tpu.memory_space<hbm>>) target_semaphore(%arg15 : memref<!tpu.dma_semaphore, #tpu.memory_space<semaphore_mem>>)
      %mul3A_380 = arith.constant 2 : i32
      %mul3A_381 = arith.muli %mul3A_380, %scan3A_302 : i32
      %add3A_382 = arith.constant 1 : i32
      %add3A_383 = arith.addi %mul3A_381, %add3A_382 : i32
      %dma_wait3A_384 = arith.constant 0 : i32
      %dma_wait3A_385 = arith.constant 0 : i32
      %dma_wait3A_386 = tpu.memref_slice %arg7[%dma_wait3A_384, %dma_wait3A_385] : memref<819200x64xf32, #tpu.memory_space<hbm>> -> memref<512x64xf32, #tpu.memory_space<hbm>>
      %dma_wait3A_387 = arith.constant 0 : i32
      %dma_wait3A_388 = arith.constant 0 : i32
      %dma_wait3A_389 = tpu.memref_slice %arg7[%dma_wait3A_387, %dma_wait3A_388] : memref<819200x64xf32, #tpu.memory_space<hbm>> -> memref<512x64xf32, #tpu.memory_space<hbm>>
      tpu.wait_dma2 semaphore(%arg15 : memref<!tpu.dma_semaphore, #tpu.memory_space<semaphore_mem>>) src(%arg10 : memref<512x64xf32, #tpu.memory_space<vmem>>) dst(%dma_wait3A_389 : memref<512x64xf32, #tpu.memory_space<hbm>>)
      %add3A_390 = arith.constant 1 : i32
      %add3A_391 = arith.addi %add3A_383, %add3A_390 : i32
      %mul3A_392 = arith.constant 4 : i32
      %mul3A_393 = arith.muli %add3A_391, %mul3A_392 : i32
      %add3A_394 = arith.constant 0 : i32
      %add3A_395 = arith.addi %mul3A_393, %add3A_394 : i32
      %dma_start3A_396 = arith.constant 0 : i32
      %dma_start3A_397 = arith.constant 0 : i32
      %dma_start3A_398 = tpu.memref_slice %arg10[%dma_start3A_396, %dma_start3A_397] : memref<512x64xf32, #tpu.memory_space<vmem>> -> memref<128x64xf32, #tpu.memory_space<vmem>>
      %dma_start3A_399 = arith.constant 0 : i32
      %dma_start3A_400 = tpu.memref_slice %arg9[%add3A_395, %dma_start3A_399] : memref<200x128xi32, #tpu.memory_space<vmem>> -> memref<1x128xi32, #tpu.memory_space<vmem>>
      %dma_start3A_401 = tpu.memref_squeeze %dma_start3A_400 : memref<1x128xi32, #tpu.memory_space<vmem>> -> memref<128xi32, #tpu.memory_space<vmem>>
      %dma_start3A_402 = arith.constant 0 : i32
      %dma_start3A_403 = arith.constant 0 : i32
      %dma_start3A_404 = tpu.memref_slice %arg5[%dma_start3A_402, %dma_start3A_403] : memref<1000000x64xf32, #tpu.memory_space<hbm>> -> memref<1000000x64xf32, #tpu.memory_space<hbm>>
      tpu.enqueue_indirect_dma source(%dma_start3A_404 : memref<1000000x64xf32, #tpu.memory_space<hbm>>) target(%dma_start3A_398 : memref<128x64xf32, #tpu.memory_space<vmem>>) offsets(%dma_start3A_401 : memref<128xi32, #tpu.memory_space<vmem>>) semaphore(%arg13 : memref<!tpu.dma_semaphore, #tpu.memory_space<semaphore_mem>>)
      %mul3A_405 = arith.constant 4 : i32
      %mul3A_406 = arith.muli %add3A_391, %mul3A_405 : i32
      %add3A_407 = arith.constant 1 : i32
      %add3A_408 = arith.addi %mul3A_406, %add3A_407 : i32
      %dma_start3A_409 = arith.constant 128 : i32
      %dma_start3A_410 = arith.constant 0 : i32
      %dma_start3A_411 = tpu.memref_slice %arg10[%dma_start3A_409, %dma_start3A_410] : memref<512x64xf32, #tpu.memory_space<vmem>> -> memref<128x64xf32, #tpu.memory_space<vmem>>
      %dma_start3A_412 = arith.constant 0 : i32
      %dma_start3A_413 = tpu.memref_slice %arg9[%add3A_408, %dma_start3A_412] : memref<200x128xi32, #tpu.memory_space<vmem>> -> memref<1x128xi32, #tpu.memory_space<vmem>>
      %dma_start3A_414 = tpu.memref_squeeze %dma_start3A_413 : memref<1x128xi32, #tpu.memory_space<vmem>> -> memref<128xi32, #tpu.memory_space<vmem>>
      %dma_start3A_415 = arith.constant 0 : i32
      %dma_start3A_416 = arith.constant 0 : i32
      %dma_start3A_417 = tpu.memref_slice %arg5[%dma_start3A_415, %dma_start3A_416] : memref<1000000x64xf32, #tpu.memory_space<hbm>> -> memref<1000000x64xf32, #tpu.memory_space<hbm>>
      tpu.enqueue_indirect_dma source(%dma_start3A_417 : memref<1000000x64xf32, #tpu.memory_space<hbm>>) target(%dma_start3A_411 : memref<128x64xf32, #tpu.memory_space<vmem>>) offsets(%dma_start3A_414 : memref<128xi32, #tpu.memory_space<vmem>>) semaphore(%arg13 : memref<!tpu.dma_semaphore, #tpu.memory_space<semaphore_mem>>)
      %mul3A_418 = arith.constant 4 : i32
      %mul3A_419 = arith.muli %add3A_391, %mul3A_418 : i32
      %add3A_420 = arith.constant 2 : i32
      %add3A_421 = arith.addi %mul3A_419, %add3A_420 : i32
      %dma_start3A_422 = arith.constant 256 : i32
      %dma_start3A_423 = arith.constant 0 : i32
      %dma_start3A_424 = tpu.memref_slice %arg10[%dma_start3A_422, %dma_start3A_423] : memref<512x64xf32, #tpu.memory_space<vmem>> -> memref<128x64xf32, #tpu.memory_space<vmem>>
      %dma_start3A_425 = arith.constant 0 : i32
      %dma_start3A_426 = tpu.memref_slice %arg9[%add3A_421, %dma_start3A_425] : memref<200x128xi32, #tpu.memory_space<vmem>> -> memref<1x128xi32, #tpu.memory_space<vmem>>
      %dma_start3A_427 = tpu.memref_squeeze %dma_start3A_426 : memref<1x128xi32, #tpu.memory_space<vmem>> -> memref<128xi32, #tpu.memory_space<vmem>>
      %dma_start3A_428 = arith.constant 0 : i32
      %dma_start3A_429 = arith.constant 0 : i32
      %dma_start3A_430 = tpu.memref_slice %arg5[%dma_start3A_428, %dma_start3A_429] : memref<1000000x64xf32, #tpu.memory_space<hbm>> -> memref<1000000x64xf32, #tpu.memory_space<hbm>>
      tpu.enqueue_indirect_dma source(%dma_start3A_430 : memref<1000000x64xf32, #tpu.memory_space<hbm>>) target(%dma_start3A_424 : memref<128x64xf32, #tpu.memory_space<vmem>>) offsets(%dma_start3A_427 : memref<128xi32, #tpu.memory_space<vmem>>) semaphore(%arg13 : memref<!tpu.dma_semaphore, #tpu.memory_space<semaphore_mem>>)
      %mul3A_431 = arith.constant 4 : i32
      %mul3A_432 = arith.muli %add3A_391, %mul3A_431 : i32
      %add3A_433 = arith.constant 3 : i32
      %add3A_434 = arith.addi %mul3A_432, %add3A_433 : i32
      %dma_start3A_435 = arith.constant 384 : i32
      %dma_start3A_436 = arith.constant 0 : i32
      %dma_start3A_437 = tpu.memref_slice %arg10[%dma_start3A_435, %dma_start3A_436] : memref<512x64xf32, #tpu.memory_space<vmem>> -> memref<128x64xf32, #tpu.memory_space<vmem>>
      %dma_start3A_438 = arith.constant 0 : i32
      %dma_start3A_439 = tpu.memref_slice %arg9[%add3A_434, %dma_start3A_438] : memref<200x128xi32, #tpu.memory_space<vmem>> -> memref<1x128xi32, #tpu.memory_space<vmem>>
      %dma_start3A_440 = tpu.memref_squeeze %dma_start3A_439 : memref<1x128xi32, #tpu.memory_space<vmem>> -> memref<128xi32, #tpu.memory_space<vmem>>
      %dma_start3A_441 = arith.constant 0 : i32
      %dma_start3A_442 = arith.constant 0 : i32
      %dma_start3A_443 = tpu.memref_slice %arg5[%dma_start3A_441, %dma_start3A_442] : memref<1000000x64xf32, #tpu.memory_space<hbm>> -> memref<1000000x64xf32, #tpu.memory_space<hbm>>
      tpu.enqueue_indirect_dma source(%dma_start3A_443 : memref<1000000x64xf32, #tpu.memory_space<hbm>>) target(%dma_start3A_437 : memref<128x64xf32, #tpu.memory_space<vmem>>) offsets(%dma_start3A_440 : memref<128xi32, #tpu.memory_space<vmem>>) semaphore(%arg13 : memref<!tpu.dma_semaphore, #tpu.memory_space<semaphore_mem>>)
      %dma_wait3A_444 = arith.constant 0 : i32
      %dma_wait3A_445 = arith.constant 0 : i32
      %dma_wait3A_446 = tpu.memref_slice %arg5[%dma_wait3A_444, %dma_wait3A_445] : memref<1000000x64xf32, #tpu.memory_space<hbm>> -> memref<512x64xf32, #tpu.memory_space<hbm>>
      %dma_wait3A_447 = arith.constant 0 : i32
      %dma_wait3A_448 = arith.constant 0 : i32
      %dma_wait3A_449 = tpu.memref_slice %arg5[%dma_wait3A_447, %dma_wait3A_448] : memref<1000000x64xf32, #tpu.memory_space<hbm>> -> memref<512x64xf32, #tpu.memory_space<hbm>>
      tpu.wait_dma2 semaphore(%arg14 : memref<!tpu.dma_semaphore, #tpu.memory_space<semaphore_mem>>) src(%dma_wait3A_449 : memref<512x64xf32, #tpu.memory_space<hbm>>) dst(%arg11 : memref<512x64xf32, #tpu.memory_space<vmem>>)
      %mul3A_450 = arith.constant 128 : i32
      %mul3A_451 = arith.muli %mul3A_4, %mul3A_450 : i32
      %mul3A_452 = arith.constant 512 : i32
      %mul3A_453 = arith.muli %add3A_383, %mul3A_452 : i32
      %add3A_454 = arith.addi %mul3A_451, %mul3A_453 : i32
      %dma_start3A_455 = arith.constant 0 : i32
      %dma_start3A_456 = tpu.memref_slice %arg7[%add3A_454, %dma_start3A_455] : memref<819200x64xf32, #tpu.memory_space<hbm>> -> memref<512x64xf32, #tpu.memory_space<hbm>>
      %dma_start3A_457 = arith.constant 0 : i32
      %dma_start3A_458 = tpu.memref_slice %arg7[%add3A_454, %dma_start3A_457] : memref<819200x64xf32, #tpu.memory_space<hbm>> -> memref<512x64xf32, #tpu.memory_space<hbm>>
      tpu.enqueue_dma source(%arg11 : memref<512x64xf32, #tpu.memory_space<vmem>>) target(%dma_start3A_458 : memref<512x64xf32, #tpu.memory_space<hbm>>) target_semaphore(%arg16 : memref<!tpu.dma_semaphore, #tpu.memory_space<semaphore_mem>>)
    }
    %scan3A_215 = arith.constant 23 : i32
    %dma_wait3A_216 = arith.constant 0 : i32
    %dma_wait3A_217 = arith.constant 0 : i32
    %dma_wait3A_218 = tpu.memref_slice %arg7[%dma_wait3A_216, %dma_wait3A_217] : memref<819200x64xf32, #tpu.memory_space<hbm>> -> memref<512x64xf32, #tpu.memory_space<hbm>>
    %dma_wait3A_219 = arith.constant 0 : i32
    %dma_wait3A_220 = arith.constant 0 : i32
    %dma_wait3A_221 = tpu.memref_slice %arg7[%dma_wait3A_219, %dma_wait3A_220] : memref<819200x64xf32, #tpu.memory_space<hbm>> -> memref<512x64xf32, #tpu.memory_space<hbm>>
    tpu.wait_dma2 semaphore(%arg16 : memref<!tpu.dma_semaphore, #tpu.memory_space<semaphore_mem>>) src(%arg11 : memref<512x64xf32, #tpu.memory_space<vmem>>) dst(%dma_wait3A_221 : memref<512x64xf32, #tpu.memory_space<hbm>>)
    %dma_start3A_222 = arith.constant 196 : i32
    %dma_start3A_223 = arith.constant 0 : i32
    %dma_start3A_224 = arith.constant 0 : i32
    %dma_start3A_225 = tpu.memref_slice %arg11[%dma_start3A_223, %dma_start3A_224] : memref<512x64xf32, #tpu.memory_space<vmem>> -> memref<128x64xf32, #tpu.memory_space<vmem>>
    %dma_start3A_226 = arith.constant 0 : i32
    %dma_start3A_227 = tpu.memref_slice %arg9[%dma_start3A_222, %dma_start3A_226] : memref<200x128xi32, #tpu.memory_space<vmem>> -> memref<1x128xi32, #tpu.memory_space<vmem>>
    %dma_start3A_228 = tpu.memref_squeeze %dma_start3A_227 : memref<1x128xi32, #tpu.memory_space<vmem>> -> memref<128xi32, #tpu.memory_space<vmem>>
    %dma_start3A_229 = arith.constant 0 : i32
    %dma_start3A_230 = arith.constant 0 : i32
    %dma_start3A_231 = tpu.memref_slice %arg5[%dma_start3A_229, %dma_start3A_230] : memref<1000000x64xf32, #tpu.memory_space<hbm>> -> memref<1000000x64xf32, #tpu.memory_space<hbm>>
    tpu.enqueue_indirect_dma source(%dma_start3A_231 : memref<1000000x64xf32, #tpu.memory_space<hbm>>) target(%dma_start3A_225 : memref<128x64xf32, #tpu.memory_space<vmem>>) offsets(%dma_start3A_228 : memref<128xi32, #tpu.memory_space<vmem>>) semaphore(%arg14 : memref<!tpu.dma_semaphore, #tpu.memory_space<semaphore_mem>>)
    %dma_start3A_232 = arith.constant 197 : i32
    %dma_start3A_233 = arith.constant 128 : i32
    %dma_start3A_234 = arith.constant 0 : i32
    %dma_start3A_235 = tpu.memref_slice %arg11[%dma_start3A_233, %dma_start3A_234] : memref<512x64xf32, #tpu.memory_space<vmem>> -> memref<128x64xf32, #tpu.memory_space<vmem>>
    %dma_start3A_236 = arith.constant 0 : i32
    %dma_start3A_237 = tpu.memref_slice %arg9[%dma_start3A_232, %dma_start3A_236] : memref<200x128xi32, #tpu.memory_space<vmem>> -> memref<1x128xi32, #tpu.memory_space<vmem>>
    %dma_start3A_238 = tpu.memref_squeeze %dma_start3A_237 : memref<1x128xi32, #tpu.memory_space<vmem>> -> memref<128xi32, #tpu.memory_space<vmem>>
    %dma_start3A_239 = arith.constant 0 : i32
    %dma_start3A_240 = arith.constant 0 : i32
    %dma_start3A_241 = tpu.memref_slice %arg5[%dma_start3A_239, %dma_start3A_240] : memref<1000000x64xf32, #tpu.memory_space<hbm>> -> memref<1000000x64xf32, #tpu.memory_space<hbm>>
    tpu.enqueue_indirect_dma source(%dma_start3A_241 : memref<1000000x64xf32, #tpu.memory_space<hbm>>) target(%dma_start3A_235 : memref<128x64xf32, #tpu.memory_space<vmem>>) offsets(%dma_start3A_238 : memref<128xi32, #tpu.memory_space<vmem>>) semaphore(%arg14 : memref<!tpu.dma_semaphore, #tpu.memory_space<semaphore_mem>>)
    %dma_start3A_242 = arith.constant 198 : i32
    %dma_start3A_243 = arith.constant 256 : i32
    %dma_start3A_244 = arith.constant 0 : i32
    %dma_start3A_245 = tpu.memref_slice %arg11[%dma_start3A_243, %dma_start3A_244] : memref<512x64xf32, #tpu.memory_space<vmem>> -> memref<128x64xf32, #tpu.memory_space<vmem>>
    %dma_start3A_246 = arith.constant 0 : i32
    %dma_start3A_247 = tpu.memref_slice %arg9[%dma_start3A_242, %dma_start3A_246] : memref<200x128xi32, #tpu.memory_space<vmem>> -> memref<1x128xi32, #tpu.memory_space<vmem>>
    %dma_start3A_248 = tpu.memref_squeeze %dma_start3A_247 : memref<1x128xi32, #tpu.memory_space<vmem>> -> memref<128xi32, #tpu.memory_space<vmem>>
    %dma_start3A_249 = arith.constant 0 : i32
    %dma_start3A_250 = arith.constant 0 : i32
    %dma_start3A_251 = tpu.memref_slice %arg5[%dma_start3A_249, %dma_start3A_250] : memref<1000000x64xf32, #tpu.memory_space<hbm>> -> memref<1000000x64xf32, #tpu.memory_space<hbm>>
    tpu.enqueue_indirect_dma source(%dma_start3A_251 : memref<1000000x64xf32, #tpu.memory_space<hbm>>) target(%dma_start3A_245 : memref<128x64xf32, #tpu.memory_space<vmem>>) offsets(%dma_start3A_248 : memref<128xi32, #tpu.memory_space<vmem>>) semaphore(%arg14 : memref<!tpu.dma_semaphore, #tpu.memory_space<semaphore_mem>>)
    %dma_start3A_252 = arith.constant 199 : i32
    %dma_start3A_253 = arith.constant 384 : i32
    %dma_start3A_254 = arith.constant 0 : i32
    %dma_start3A_255 = tpu.memref_slice %arg11[%dma_start3A_253, %dma_start3A_254] : memref<512x64xf32, #tpu.memory_space<vmem>> -> memref<128x64xf32, #tpu.memory_space<vmem>>
    %dma_start3A_256 = arith.constant 0 : i32
    %dma_start3A_257 = tpu.memref_slice %arg9[%dma_start3A_252, %dma_start3A_256] : memref<200x128xi32, #tpu.memory_space<vmem>> -> memref<1x128xi32, #tpu.memory_space<vmem>>
    %dma_start3A_258 = tpu.memref_squeeze %dma_start3A_257 : memref<1x128xi32, #tpu.memory_space<vmem>> -> memref<128xi32, #tpu.memory_space<vmem>>
    %dma_start3A_259 = arith.constant 0 : i32
    %dma_start3A_260 = arith.constant 0 : i32
    %dma_start3A_261 = tpu.memref_slice %arg5[%dma_start3A_259, %dma_start3A_260] : memref<1000000x64xf32, #tpu.memory_space<hbm>> -> memref<1000000x64xf32, #tpu.memory_space<hbm>>
    tpu.enqueue_indirect_dma source(%dma_start3A_261 : memref<1000000x64xf32, #tpu.memory_space<hbm>>) target(%dma_start3A_255 : memref<128x64xf32, #tpu.memory_space<vmem>>) offsets(%dma_start3A_258 : memref<128xi32, #tpu.memory_space<vmem>>) semaphore(%arg14 : memref<!tpu.dma_semaphore, #tpu.memory_space<semaphore_mem>>)
    %dma_wait3A_262 = arith.constant 0 : i32
    %dma_wait3A_263 = arith.constant 0 : i32
    %dma_wait3A_264 = tpu.memref_slice %arg5[%dma_wait3A_262, %dma_wait3A_263] : memref<1000000x64xf32, #tpu.memory_space<hbm>> -> memref<512x64xf32, #tpu.memory_space<hbm>>
    %dma_wait3A_265 = arith.constant 0 : i32
    %dma_wait3A_266 = arith.constant 0 : i32
    %dma_wait3A_267 = tpu.memref_slice %arg5[%dma_wait3A_265, %dma_wait3A_266] : memref<1000000x64xf32, #tpu.memory_space<hbm>> -> memref<512x64xf32, #tpu.memory_space<hbm>>
    tpu.wait_dma2 semaphore(%arg13 : memref<!tpu.dma_semaphore, #tpu.memory_space<semaphore_mem>>) src(%dma_wait3A_267 : memref<512x64xf32, #tpu.memory_space<hbm>>) dst(%arg10 : memref<512x64xf32, #tpu.memory_space<vmem>>)
    %mul3A_268 = arith.constant 128 : i32
    %mul3A_269 = arith.muli %mul3A_4, %mul3A_268 : i32
    %add3A_270 = arith.constant 24576 : i32
    %add3A_271 = arith.addi %mul3A_269, %add3A_270 : i32
    %dma_start3A_272 = arith.constant 0 : i32
    %dma_start3A_273 = tpu.memref_slice %arg7[%add3A_271, %dma_start3A_272] : memref<819200x64xf32, #tpu.memory_space<hbm>> -> memref<512x64xf32, #tpu.memory_space<hbm>>
    %dma_start3A_274 = arith.constant 0 : i32
    %dma_start3A_275 = tpu.memref_slice %arg7[%add3A_271, %dma_start3A_274] : memref<819200x64xf32, #tpu.memory_space<hbm>> -> memref<512x64xf32, #tpu.memory_space<hbm>>
    tpu.enqueue_dma source(%arg10 : memref<512x64xf32, #tpu.memory_space<vmem>>) target(%dma_start3A_275 : memref<512x64xf32, #tpu.memory_space<hbm>>) target_semaphore(%arg15 : memref<!tpu.dma_semaphore, #tpu.memory_space<semaphore_mem>>)
    %dma_wait3A_276 = arith.constant 0 : i32
    %dma_wait3A_277 = arith.constant 0 : i32
    %dma_wait3A_278 = tpu.memref_slice %arg7[%dma_wait3A_276, %dma_wait3A_277] : memref<819200x64xf32, #tpu.memory_space<hbm>> -> memref<512x64xf32, #tpu.memory_space<hbm>>
    %dma_wait3A_279 = arith.constant 0 : i32
    %dma_wait3A_280 = arith.constant 0 : i32
    %dma_wait3A_281 = tpu.memref_slice %arg7[%dma_wait3A_279, %dma_wait3A_280] : memref<819200x64xf32, #tpu.memory_space<hbm>> -> memref<512x64xf32, #tpu.memory_space<hbm>>
    tpu.wait_dma2 semaphore(%arg15 : memref<!tpu.dma_semaphore, #tpu.memory_space<semaphore_mem>>) src(%arg10 : memref<512x64xf32, #tpu.memory_space<vmem>>) dst(%dma_wait3A_281 : memref<512x64xf32, #tpu.memory_space<hbm>>)
    %dma_wait3A_282 = arith.constant 0 : i32
    %dma_wait3A_283 = arith.constant 0 : i32
    %dma_wait3A_284 = tpu.memref_slice %arg5[%dma_wait3A_282, %dma_wait3A_283] : memref<1000000x64xf32, #tpu.memory_space<hbm>> -> memref<512x64xf32, #tpu.memory_space<hbm>>
    %dma_wait3A_285 = arith.constant 0 : i32
    %dma_wait3A_286 = arith.constant 0 : i32
    %dma_wait3A_287 = tpu.memref_slice %arg5[%dma_wait3A_285, %dma_wait3A_286] : memref<1000000x64xf32, #tpu.memory_space<hbm>> -> memref<512x64xf32, #tpu.memory_space<hbm>>
    tpu.wait_dma2 semaphore(%arg14 : memref<!tpu.dma_semaphore, #tpu.memory_space<semaphore_mem>>) src(%dma_wait3A_287 : memref<512x64xf32, #tpu.memory_space<hbm>>) dst(%arg11 : memref<512x64xf32, #tpu.memory_space<vmem>>)
    %mul3A_288 = arith.constant 128 : i32
    %mul3A_289 = arith.muli %mul3A_4, %mul3A_288 : i32
    %add3A_290 = arith.constant 25088 : i32
    %add3A_291 = arith.addi %mul3A_289, %add3A_290 : i32
    %dma_start3A_292 = arith.constant 0 : i32
    %dma_start3A_293 = tpu.memref_slice %arg7[%add3A_291, %dma_start3A_292] : memref<819200x64xf32, #tpu.memory_space<hbm>> -> memref<512x64xf32, #tpu.memory_space<hbm>>
    %dma_start3A_294 = arith.constant 0 : i32
    %dma_start3A_295 = tpu.memref_slice %arg7[%add3A_291, %dma_start3A_294] : memref<819200x64xf32, #tpu.memory_space<hbm>> -> memref<512x64xf32, #tpu.memory_space<hbm>>
    tpu.enqueue_dma source(%arg11 : memref<512x64xf32, #tpu.memory_space<vmem>>) target(%dma_start3A_295 : memref<512x64xf32, #tpu.memory_space<hbm>>) target_semaphore(%arg16 : memref<!tpu.dma_semaphore, #tpu.memory_space<semaphore_mem>>)
    %dma_wait3A_296 = arith.constant 0 : i32
    %dma_wait3A_297 = arith.constant 0 : i32
    %dma_wait3A_298 = tpu.memref_slice %arg7[%dma_wait3A_296, %dma_wait3A_297] : memref<819200x64xf32, #tpu.memory_space<hbm>> -> memref<512x64xf32, #tpu.memory_space<hbm>>
    %dma_wait3A_299 = arith.constant 0 : i32
    %dma_wait3A_300 = arith.constant 0 : i32
    %dma_wait3A_301 = tpu.memref_slice %arg7[%dma_wait3A_299, %dma_wait3A_300] : memref<819200x64xf32, #tpu.memory_space<hbm>> -> memref<512x64xf32, #tpu.memory_space<hbm>>
    tpu.wait_dma2 semaphore(%arg16 : memref<!tpu.dma_semaphore, #tpu.memory_space<semaphore_mem>>) src(%arg11 : memref<512x64xf32, #tpu.memory_space<vmem>>) dst(%dma_wait3A_301 : memref<512x64xf32, #tpu.memory_space<hbm>>)
    return
  }
}

</mosaic_0001>

<sc_bundles>
// kernel: kernel.3.cloned.1.call-start
scs
__scs_entry_jumppad:
0x0: {  	(pc) =	sbr.rel $0x88, $3  }
0x1: {  	(tag) =	ssettag $0x0;
	lr =	simm.s32 $0x1  }
0x2: {  	[smem:$0x3F9D] =	sst lr;
	_ =	strace $0xD0000000  }
0x3: {  	_ = 	snop  }
0x4: {  	_ = 	snop  }
0x5: {  	_ = 	snop  }
0x6: {  	_ = 	snop  }
0x7: {  	_ = 	snop  }
__scs_overlays_trampoline_lowered:
0x8: {  	[smem:$0x3FAC] =	sst s0  }
0x9: {  	[smem:$0x3FAD] =	sst s1  }
0xa: {  	[smem:$0x3FAE] =	sst s2  }
0xb: {  	[smem:$0x3FAF] =	sst s3  }
0xc: {  	[smem:$0x3FB0] =	sst s4  }
0xd: {  	[smem:$0x3FB1] =	sst s5  }
0xe: {  	[smem:$0x3FB2] =	sst s6  }
0xf: {  	[smem:$0x3FB3] =	sst s7  }
0x10: {  	[smem:$0x3FB4] =	sst s8  }
0x11: {  	[smem:$0x3FB5] =	sst s9;
	s0 =	simm.s32 @!p0 $0x0  }
0x12: {  	s1 =	sld [smem:$0x3F9B];
	s0 =	simm.s32 @p0 $0x1  }
0x13: {  	[smem:$0x3FB6] =	sst s0;
	s0 =	simm.s32 @!p1 $0x0  }
0x14: {  	s2 =	sld [smem:$0x3F9A];
	s0 =	simm.s32 @p1 $0x1  }
0x15: {  	[smem:$0x3FB7] =	sst s0;
	s0 =	simm.s32 @!p2 $0x0  }
0x16: {  	s3 =	sld [smem:$0x3FDB];
	s0 =	simm.s32 @p2 $0x1  }
0x17: {  	s4 =	simm.s32 $0x1BF5;
	[smem:$0x3FB9] =	sst s0  }
0x18: {  	s0 =	sld [smem:$0x3F9C];
	_ =	swait.ge [sflag:s4], $0x0  }
0x19: {  	s7 =	sld [smem:$0x3F9D]  }
0x1a: {  	s8 =	sadd.s32 $0xFFFFE003, lr  }
0x1b: {  	s9 =	sadd.s32 $0xFFFFFEF7, lr;
	s5 =	simm.s32 $0xFFFFFFFF;
	p2 =	slt.u32 s8, $0xFFFFF086  }
0x1c: {  	p1 =	slt.u32 s9, $0xF7A;
	s5 =	simm.s32 @!p2 $0x0  }
0x1d: {  	s5 =	simm.s32 @p1 $0x1;
	p0 =	seq.s32 s7, s2  }
0x1e: {  	s7 =	smul.u32 @!p0 $0xF7A, s2;
	p2 =	seq.s32 @!p0 s5, $0x0  }
0x1f: {  	s9 =	smul.u32 $0xF7A, s1;
	s8 =	simm.s32 @!p0 $0x1BF5;
	p2 =	por !p2, p0  }
0x20: {  	[sflag:s8] =	ssyncset.s32 @!p0 $0xFFFFF086;
	s6 =	sadd.s32 @!p0 s3, s7;
	s7 =	simm.s32 @!p0 $0x108  }
0x21: {  	s3 =	sadd.s32 s3, s9;
	s6 =	sadd.s32 @!p0 $0x88, s6;
	s7 =	simm.s32 @p2 $0x1082  }
0x22: {  	[simem:s7], [sflag:s8] =	dma.local @!p0 [hbm:s6], $0xF7A  }
0x23: {  	s9 =	sor.u32 $0xD0000000, s2;
	s6 =	simm.s32 $0x108;
	_ =	swait.ge @!p0 [sflag:s8], $0x0  }
0x24: {  	s3 =	sadd.s32 $0x88, s3;
	s6 =	simm.s32 @!p1 $0x1082;
	[sflag:s4] =	ssyncset.s32 $0xFFFFF086  }
0x25: {  	[simem:s6], [sflag:s4] =	dma.local [hbm:s3], $0xF7A  }
0x26: {  	[smem:$0x3F9D] =	sst s1;
	(tag) =	ssettag s2;
	_ =	strace s9  }
0x27: {  	s1 =	sld [smem:$0x3FAD]  }
0x28: {  	s2 =	sld [smem:$0x3FAE]  }
0x29: {  	s4 =	sld [smem:$0x3FB0]  }
0x2a: {  	p0 =	seq.s32 s5, $0x0;
	s5 =	sld [smem:$0x3FB1]  }
0x2b: {  	s6 =	sld [smem:$0x3FB2]  }
0x2c: {  	s7 =	sld [smem:$0x3FB3]  }
0x2d: {  	s3 =	simm.s32 $0x108;
	s8 =	sld [smem:$0x3FB4]  }
0x2e: {  	s3 =	simm.s32 @!p0 $0x1082;
	s9 =	sld [smem:$0x3FB5]  }
0x2f: {  	lr =	sadd.s32 s0, s3;
	s0 =	sld [smem:$0x3FAC]  }
0x30: {  	s3 =	sld [smem:$0x3FAF]  }
0x31: {  	[smem:$0x3FB8] =	sst s10  }
0x32: {  	s10 =	sld [smem:$0x3FB6];
	_ =	sdelay $0x3  }
0x33: {  	p0 =	seq.s32 s10, $0x1;
	s10 =	sld [smem:$0x3FB8];
	_ =	sdelay $0x3  }
0x34: {  	[smem:$0x3FB8] =	sst s10  }
0x35: {  	s10 =	sld [smem:$0x3FB7];
	_ =	sdelay $0x3  }
0x36: {  	p1 =	seq.s32 s10, $0x1;
	s10 =	sld [smem:$0x3FB8];
	_ =	sdelay $0x3  }
0x37: {  	[smem:$0x3FB8] =	sst s10  }
0x38: {  	s10 =	sld [smem:$0x3FB9]  }
0x39: {  	_ = 	snop;
	(pc) =	sbr.ind lr, $3  }
0x3a: {  	_ = 	snop  }
0x3b: {  	_ = 	snop  }
0x3c: {  	p2 =	seq.s32 s10, $0x1;
	s10 =	sld [smem:$0x3FB8]  }
0x3d: {  	_ =	shalt  }
0x3e: {  	_ =	shalt  }
0x3f: {  	_ =	shalt  }
0x40: {  	_ =	shalt  }
0x41: {  	_ =	shalt  }
0x42: {  	_ =	shalt  }
0x43: {  	_ =	shalt  }
0x44: {  	_ =	shalt  }
0x45: {  	_ =	shalt  }
0x46: {  	_ =	shalt  }
0x47: {  	_ =	shalt  }
0x48: {  	_ =	shalt  }
0x49: {  	_ =	shalt  }
0x4a: {  	_ =	shalt  }
0x4b: {  	_ =	shalt  }
0x4c: {  	_ =	shalt  }
0x4d: {  	_ =	shalt  }
0x4e: {  	_ =	shalt  }
0x4f: {  	_ =	shalt  }
0x50: {  	_ =	shalt  }
0x51: {  	_ =	shalt  }
0x52: {  	_ =	shalt  }
0x53: {  	_ =	shalt  }
0x54: {  	_ =	shalt  }
0x55: {  	_ =	shalt  }
0x56: {  	_ =	shalt  }
0x57: {  	_ =	shalt  }
0x58: {  	_ =	shalt  }
0x59: {  	_ =	shalt  }
0x5a: {  	_ =	shalt  }
0x5b: {  	_ =	shalt  }
0x5c: {  	_ =	shalt  }
0x5d: {  	_ =	shalt  }
0x5e: {  	_ =	shalt  }
0x5f: {  	_ =	shalt  }
0x60: {  	_ =	shalt  }
0x61: {  	_ =	shalt  }
0x62: {  	_ =	shalt  }
0x63: {  	_ =	shalt  }
0x64: {  	_ =	shalt  }
0x65: {  	_ =	shalt  }
0x66: {  	_ =	shalt  }
0x67: {  	_ =	shalt  }
0x68: {  	_ =	shalt  }
0x69: {  	_ =	shalt  }
0x6a: {  	_ =	shalt  }
0x6b: {  	_ =	shalt  }
0x6c: {  	_ =	shalt  }
0x6d: {  	_ =	shalt  }
0x6e: {  	_ =	shalt  }
0x6f: {  	_ =	shalt  }
0x70: {  	_ =	shalt  }
0x71: {  	_ =	shalt  }
0x72: {  	_ =	shalt  }
0x73: {  	_ =	shalt  }
0x74: {  	_ =	shalt  }
0x75: {  	_ =	shalt  }
0x76: {  	_ =	shalt  }
0x77: {  	_ =	shalt  }
0x78: {  	_ =	shalt  }
0x79: {  	_ =	shalt  }
0x7a: {  	_ =	shalt  }
0x7b: {  	_ =	shalt  }
0x7c: {  	_ =	shalt  }
0x7d: {  	_ =	shalt  }
0x7e: {  	_ =	shalt  }
0x7f: {  	_ =	shalt  }
0x80: {  	_ =	shalt  }
0x81: {  	_ =	shalt  }
0x82: {  	_ =	shalt  }
0x83: {  	_ =	shalt  }
0x84: {  	_ =	shalt  }
0x85: {  	_ =	shalt  }
0x86: {  	_ =	shalt  }
0x87: {  	_ =	shalt  }
.Lfunc_end0:
.L_simem_size_0:
called_computation.1_lowered:
.L_overlay_start_0:
0x88: {  	s2 =	sld [smem:$0x3FD9]  }
0x89: {  	s3 =	sld [smem:$0x3FFE];
	_ =	sdelay $0x1  }
0x8a: {  	s1 =	srdreg.scid  }
0x8b: {  	s0 =	sand.u32 $0x1, s1  }
0x8c: {  	s14 =	sshll.u32 s0, $0xA;
	s2 =	sadd.s32 s3, s2  }
0x8d: {  	s2 =	sadd.s32 s2, s14  }
0x8e: {  	[smem:$0x3FC4] =	sst s2  }
0x8f: {  	_ = 	snop  }
0x90: {  	s2 =	sld [smem:$0x3FD0];
	_ =	sdelay $0x2  }
0x91: {  	s4 =	simm.s32 $0xA;
	s5 =	simm.s32 $0x10;
	s15 =	sld [smem:$0x3FC9]  }
0x92: {  	[smem:s5], [sflag:s4] =	dma.local [hbm:s2], $0x1  }
0x93: {  	_ =	swait.eq [sflag:s4], $0x1  }
0x94: {  	[sflag:s4] =	ssyncset.done $0x0  }
0x95: {  	s16 =	sld [smem:$0x10];
	[sflag:s4] =	ssyncadd.s32 $0xFFFFFFFF  }
0x96: {  	s17 =	sld [smem:$0x11];
	(tm) =	ssettm $0x1  }
0x97: {  	s18 =	sld [smem:$0x3FFB];
	_ =	sdelay $0x3  }
0x98: {  	_ =	strace s18  }
0x99: {  	s5 =	sld [smem:$0x3FFC];
	_ =	sdelay $0x3  }
0x9a: {  	_ =	strace s5  }
0x9b: {  	s5 =	sld [smem:$0x3FFD];
	_ =	sdelay $0x3  }
0x9c: {  	_ =	strace s5  }
0x9d: {  	_ =	strace $0x8FFFFFFF  }
0x9e: {  	s19 =	sld [smem:$0x3FDB];
	_ =	sdelay $0x1  }
0x9f: {  	s6 =	simm.s32 $_scs_section_size  }
0xa0: {  	s7 =	simm.s32 $_size__tile_overlayer_lowered;
	s8 =	simm.s32 $_tile_overlayer_lowered  }
0xa1: {  	s22 =	simm.s32 $0x1BFF;
	s21 =	sshll.u32 s8, $0x1;
	s5 =	sadd.s32 s6, s19  }
0xa2: {  	s9 =	simm.s32 $0x0;
	s20 =	sshll.u32 s7, $0x1;
	s7 =	sadd.s32 s21, s5  }
0xa3: {  	[timem:s9], [sflag:s22] =	dma.local [hbm:s7], s20  }
0xa4: {  	_ =	swait.ge [sflag:s22], s20  }
0xa5: {  	s6 =	ssub.s32 $0x0, s20;
	[sflag:s22] =	ssyncset.done $0x0  }
0xa6: {  	[sflag:s22] =	ssyncadd.s32 s6;
	_ =	sdelay $0x1  }
0xa7: {  	s23 =	simm.s32 $0x1B8B  }
0xa8: {  	_ =	swait.ge [sflag:s23], $0x1  }
0xa9: {  	[sflag:s23] =	ssyncset.done $0x0  }
0xaa: {  	s25 =	simm.s32 $0x1B8E;
	s24 =	sld [smem:$0x3FFE];
	[sflag:s23] =	ssyncadd.s32 $0xFFFFFFFF  }
0xab: {  	s26 =	simm.s32 $execute0_lowered;
	[smem:$0x3FD2] =	sst s25  }
0xac: {  	s7 =	sshll.u32 s26, $0x1;
	_ =	strace $0x80000046;
	[dreg:$0x1] =	wrdreg $0xFFFFFFFF  }
0xad: {  	s28 =	simm.s32 $_size_execute0_lowered;
	s5 =	sadd.s32 s5, s7;
	[dreg:$0x0] =	wrdreg $0x0  }
0xae: {  	s7 =	sshll.u32 s28, $0x1;
	[dreg:$0x2] =	wrdreg s5  }
0xaf: {  	[dreg:$0x3] =	wrdreg s7  }
0xb0: {  	[dreg:$0x4] =	wrdreg $0xC0  }
0xb1: {  	_ =	task [dreg:s9], $0x5FFFF  }
0xb2: {  	[dreg:$0x1] =	wrdreg $0xFFFFFFFF  }
0xb3: {  	[dreg:$0x0] =	wrdreg $0x60  }
0xb4: {  	[dreg:$0x2] =	wrdreg s15  }
0xb5: {  	[dreg:$0x3] =	wrdreg s24  }
0xb6: {  	[dreg:$0x4] =	wrdreg s16  }
0xb7: {  	[dreg:$0x5] =	wrdreg s17  }
0xb8: {  	[dreg:$0x6] =	wrdreg $0x9  }
0xb9: {  	_ =	task.clear_ibuf [dreg:s9], $0x7FFFF;
	_ =	strace $0x90000046  }
0xba: {  	s29 =	simm.s32 $0x9;
	_ =	strace $0x80000048  }
0xbb: {  	_ =	swait.ge [sflag:s29], $0x1  }
0xbc: {  	[sflag:s29] =	ssyncadd.s32 $0xFFFFFFFF  }
0xbd: {  	_ =	strace $0x90000048  }
0xbe: {  	_ =	sfence  }
0xbf: {  	s30 =	sld [smem:$0x0];
	_ =	sdelay $0x2  }
0xc0: {  	s31 =	sshll.u32 s1, $0xD;
	s1 =	sshrl.u32 s1, $0x2  }
0xc1: {  	s3 =	sand.u32 $0x4000, s31;
	s1 =	sadd.s32 s1, s30  }
0xc2: {  	s0 =	sor.u32 s3, s0;
	s1 =	sshll.u32 s1, $0x11  }
0xc3: {  	s0 =	sor.u32 s1, s0  }
0xc4: {  	s0 =	sadd.s32 $0x8F2B, s0  }
0xc5: {  	[sflag:s0] =	ssyncadd.remote.s32 $0x1  }
0xc6: {  	_ =	sfence.sel $0xFFFF  }
0xc7: {  	[dreg:$0x0] =	wrdreg $0xFFFFFFFF;
	(pc) =	sbr.abs _section_cstart, $3  }
0xc8: {  	[dreg:$0x1] =	wrdreg $0xFFFFFFFF  }
0xc9: {  	_ =	task.clear_ibuf [dreg:s9], $0x2FFFF;
	_ =	strace $0x9FFFFFFF  }
0xca: {  	(tm) =	ssettm $0x7FFFFFFF  }
0xcb: {  	_ =	shalt  }
tec
execute0_lowered:
.L_overlay_start_1:
0x0: {  	(tag) =	ssettag $0x1  }
0x1: {  	s0 =	rddreg [dreg:$0x0]  }
0x2: {  	s1 =	rddreg [dreg:$0x1];
	s2 =	srdreg.scid  }
0x3: {  	s13 =	stileid.u32;
	s6 =	rddreg [dreg:$0x2];
	s16 =	simm.s32 $0x6  }
0x4: {  	s31 =	simm.s32 $0xE600;
	s28 =	simm.s32 $0x14600;
	s29 =	simm.s32 $0x2  }
0x5: {  	s7 =	sand.u32 $0x1, s2;
	s3 =	sshll.u32 s13, $0x1;
	s13 =	smul.u32 $0x320000, s13  }
0x6: {  	s8 =	sor.u32 s7, s3;
	s10 =	ssub.s32 $0x2, s7;
	s7 =	smul.u32 $0x190000, s7  }
0x7: {  	s30 =	simm.s32 $0x4;
	s2 =	rddreg [dreg:$0x3];
	s4 =	smul.u32 $0xC80, s8  }
0x8: {  	s5 =	sadd.s32 $0xF43400, s1;
	s3 =	simm.s32 $0x0;
	s11 =	smul.u32 $0x32000, s8  }
0x9: {  	[smem:$0x7FF] =	sst s3;
	s17 =	sshrl.u32 s10, $0x1;
	s12 =	smul.u32 $0x190000, s8  }
0xa: {  	s18 =	sshll.u32 s8, $0x6;
	s19 =	sshll.u32 s8, $0xC;
	_ =	strace $0x80000047  }
0xb: {  	s0 =	sadd.s32 s0, s18;
	s22 =	sadd.s32 s7, s13;
	s18 =	simm.s32 $0x80  }
0xc: {  	s9 =	sadd.s32 s4, s1;
	s4 =	sadd.s32 $0x16E4600, s1;
	s1 =	ssub.s32 s10, s17  }
0xd: {  	[dreg:$0x5] =	wrdreg s0;
	s0 =	sadd.s32 s6, s19;
	s21 =	sshrl.u32 s12, $0x3  }
0xe: {  	s25 =	sadd.s32 $0x18000, s22;
	s14 =	sadd.s32 $0x10000, s22;
	s17 =	simm.s32 $0x200  }
0xf: {  	s19 =	simm.s32 $0x6600;
	s22 =	simm.s32 $0xA600;
	s20 =	sadd.s32 $0x1000, s9  }
0x10: {  	[dreg:$0x7] =	wrdreg s0;
	s9 =	sadd.s32 s2, s11;
	s0 =	sadd.s32 s2, s21  }
0x11: {  	s13 =	smax.u32 s1, $0x1;
	s26 =	sshrl.u32 s25, $0x3;
	s25 =	simm.s32 $0x1  }
0x12: {  	s21 =	simm.s32 $0x3;
	[dreg:$0x6] =	wrdreg s20;
	s23 =	sadd.s32 $0x1000, s9  }
0x13: {  	s1 =	simm.s32 $0x0;
	s24 =	sadd.s32 $0x30000, s0;
	[dreg:$0x8] =	wrdreg s23  }
0x14: {  	s0 =	sadd.s32 $0x31000, s0;
	s10 =	sadd.s32 s26, s2;
	[dreg:$0x9] =	wrdreg s24  }
0x15: {  	s20 =	simm.s32 $0x8600;
	s26 =	simm.s32 $0x5;
	[dreg:$0xa] =	wrdreg s0  }
0x16: {  	s24 =	simm.s32 $0xC600;
	s0 =	simm.s32 $0x10600;
	s23 =	simm.s32 $0x12600  }
.LBB2_1:
0x17: {  	s6 =	rddreg [dreg:$0x5]  }
0x18: {  	[tilespmem:s3], [sflag:$0x6] =	stream.linear.gather [hbm4b:s6+s3], $0x200, $0x38;
	[tilespmem:$0x16600] =	vst v63  }
0x19: {  	_ =	swait.ge [sflag:s16], $0x200  }
0x1a: {  	[sflag:s16] =	ssyncset.done $0x0  }
0x1b: {  	s7 =	rddreg [dreg:$0x6];
	[sflag:s16] =	ssyncadd.s32 $0xFFFFFE00  }
0x1c: {  	[tilespmem:s17], [sflag:$0x6] =	stream.linear.gather [hbm4b:s7+s3], $0x6400, $0x38;
	[tilespmem:$0x16600] =	vst v63  }
0x1d: {  	_ =	swait.ge [sflag:s16], $0x6400  }
0x1e: {  	[sflag:s16] =	ssyncset.done $0x0  }
0x1f: {  	[sflag:s16] =	ssyncadd.s32 $0xFFFF9C00  }
0x20: {  	[tilespmem:s19], [sflag:$0x1] =	stream.indirect.gather [hbm4b:s4+s18], $0x40, s3, s18, $0xb8;
	[tilespmem:$0x16600] =	vst v63  }
0x21: {  	_ = 	snop  }
0x22: {  	[tilespmem:s20], [sflag:$0x1] =	stream.indirect.gather [hbm4b:s4+s18], $0x40, s18, s18, $0xb8;
	[tilespmem:$0x16600] =	vst v63  }
0x23: {  	s8 =	simm.s32 $0x100  }
0x24: {  	[tilespmem:s22], [sflag:$0x1] =	stream.indirect.gather [hbm4b:s4+s18], $0x40, s8, s18, $0xb8;
	[tilespmem:$0x16600] =	vst v63  }
0x25: {  	s11 =	simm.s32 $0x180  }
0x26: {  	[tilespmem:s24], [sflag:$0x1] =	stream.indirect.gather [hbm4b:s4+s18], $0x40, s11, s18, $0xb8;
	[tilespmem:$0x16600] =	vst v63  }
0x27: {  	_ =	swait.ge [sflag:s25], $0x8000  }
0x28: {  	[sflag:s25] =	ssyncset.done $0x0  }
0x29: {  	s12 =	rddreg [dreg:$0x7];
	[sflag:s25] =	ssyncadd.s32 $0xFFFF8000  }
0x2a: {  	[hbm4b:s12+s3] =	stream.linear.scatter [tilespmem:s19], [sflag:$0x6], $0x8000, $0x38;
	[tilespmem:$0x16600] =	vst v63  }
0x2b: {  	_ =	swait.ge [sflag:s16], $0x8000  }
0x2c: {  	[sflag:s16] =	ssyncset.done $0x0  }
0x2d: {  	[sflag:s16] =	ssyncadd.s32 $0xFFFF8000  }
0x2e: {  	[tilespmem:s19], [sflag:$0x2] =	stream.indirect.gather [hbm4b:s5+s18], $0x40, s17, s18, $0xb8;
	[tilespmem:$0x16600] =	vst v63  }
0x2f: {  	s15 =	simm.s32 $0x280  }
0x30: {  	[tilespmem:s20], [sflag:$0x2] =	stream.indirect.gather [hbm4b:s5+s18], $0x40, s15, s18, $0xb8;
	[tilespmem:$0x16600] =	vst v63  }
0x31: {  	s7 =	simm.s32 $0x300  }
0x32: {  	[tilespmem:s22], [sflag:$0x2] =	stream.indirect.gather [hbm4b:s5+s18], $0x40, s7, s18, $0xb8;
	[tilespmem:$0x16600] =	vst v63  }
0x33: {  	s8 =	simm.s32 $0x380  }
0x34: {  	[tilespmem:s24], [sflag:$0x2] =	stream.indirect.gather [hbm4b:s5+s18], $0x40, s8, s18, $0xb8;
	[tilespmem:$0x16600] =	vst v63  }
0x35: {  	s11 =	simm.s32 $0x400  }
0x36: {  	[tilespmem:s31], [sflag:$0x3] =	stream.indirect.gather [hbm4b:s5+s18], $0x40, s11, s18, $0xb8;
	[tilespmem:$0x16600] =	vst v63  }
0x37: {  	s12 =	simm.s32 $0x480  }
0x38: {  	[tilespmem:s0], [sflag:$0x3] =	stream.indirect.gather [hbm4b:s5+s18], $0x40, s12, s18, $0xb8;
	[tilespmem:$0x16600] =	vst v63  }
0x39: {  	s15 =	simm.s32 $0x500  }
0x3a: {  	[tilespmem:s23], [sflag:$0x3] =	stream.indirect.gather [hbm4b:s5+s18], $0x40, s15, s18, $0xb8;
	[tilespmem:$0x16600] =	vst v63  }
0x3b: {  	s7 =	simm.s32 $0x580  }
0x3c: {  	[tilespmem:s28], [sflag:$0x3] =	stream.indirect.gather [hbm4b:s5+s18], $0x40, s7, s18, $0xb8;
	[tilespmem:$0x16600] =	vst v63  }
0x3d: {  	_ =	swait.ge [sflag:s29], $0x8000  }
0x3e: {  	[sflag:s29] =	ssyncset.done $0x0  }
0x3f: {  	[sflag:s29] =	ssyncadd.s32 $0xFFFF8000  }
0x40: {  	[hbm4b:s9+s3] =	stream.linear.scatter [tilespmem:s19], [sflag:$0x4], $0x8000, $0x38;
	[tilespmem:$0x16600] =	vst v63  }
0x41: {  	_ =	swait.ge [sflag:s30], $0x8000  }
0x42: {  	[sflag:s30] =	ssyncset.done $0x0  }
0x43: {  	s8 =	simm.s32 $0x600;
	[sflag:s30] =	ssyncadd.s32 $0xFFFF8000  }
0x44: {  	[tilespmem:s19], [sflag:$0x2] =	stream.indirect.gather [hbm4b:s5+s18], $0x40, s8, s18, $0xb8;
	[tilespmem:$0x16600] =	vst v63  }
0x45: {  	s11 =	simm.s32 $0x680  }
0x46: {  	[tilespmem:s20], [sflag:$0x2] =	stream.indirect.gather [hbm4b:s5+s18], $0x40, s11, s18, $0xb8;
	[tilespmem:$0x16600] =	vst v63  }
0x47: {  	s12 =	simm.s32 $0x700  }
0x48: {  	[tilespmem:s22], [sflag:$0x2] =	stream.indirect.gather [hbm4b:s5+s18], $0x40, s12, s18, $0xb8;
	[tilespmem:$0x16600] =	vst v63  }
0x49: {  	s15 =	simm.s32 $0x780  }
0x4a: {  	[tilespmem:s24], [sflag:$0x2] =	stream.indirect.gather [hbm4b:s5+s18], $0x40, s15, s18, $0xb8;
	[tilespmem:$0x16600] =	vst v63  }
0x4b: {  	_ =	swait.ge [sflag:s21], $0x8000  }
0x4c: {  	[sflag:s21] =	ssyncset.done $0x0  }
0x4d: {  	s7 =	rddreg [dreg:$0x8];
	[sflag:s21] =	ssyncadd.s32 $0xFFFF8000  }
0x4e: {  	[hbm4b:s7+s3] =	stream.linear.scatter [tilespmem:s31], [sflag:$0x5], $0x8000, $0x38;
	[tilespmem:$0x16600] =	vst v63  }
0x4f: {  	_ =	swait.ge [sflag:s26], $0x8000  }
0x50: {  	[sflag:s26] =	ssyncset.done $0x0  }
0x51: {  	s8 =	simm.s32 $0x800;
	[sflag:s26] =	ssyncadd.s32 $0xFFFF8000  }
0x52: {  	[tilespmem:s31], [sflag:$0x3] =	stream.indirect.gather [hbm4b:s5+s18], $0x40, s8, s18, $0xb8;
	[tilespmem:$0x16600] =	vst v63  }
0x53: {  	s11 =	simm.s32 $0x880  }
0x54: {  	[tilespmem:s0], [sflag:$0x3] =	stream.indirect.gather [hbm4b:s5+s18], $0x40, s11, s18, $0xb8;
	[tilespmem:$0x16600] =	vst v63  }
0x55: {  	s12 =	simm.s32 $0x900  }
0x56: {  	[tilespmem:s23], [sflag:$0x3] =	stream.indirect.gather [hbm4b:s5+s18], $0x40, s12, s18, $0xb8;
	[tilespmem:$0x16600] =	vst v63  }
0x57: {  	s15 =	simm.s32 $0x980  }
0x58: {  	[tilespmem:s28], [sflag:$0x3] =	stream.indirect.gather [hbm4b:s5+s18], $0x40, s15, s18, $0xb8;
	[tilespmem:$0x16600] =	vst v63  }
0x59: {  	_ =	swait.ge [sflag:s29], $0x8000  }
0x5a: {  	s7 =	sshrl.u32 s14, $0x3;
	[sflag:s29] =	ssyncset.done $0x0  }
0x5b: {  	s6 =	sadd.s32 s2, s7;
	[sflag:s29] =	ssyncadd.s32 $0xFFFF8000  }
0x5c: {  	[hbm4b:s6+s3] =	stream.linear.scatter [tilespmem:s19], [sflag:$0x4], $0x8000, $0x38;
	[tilespmem:$0x16600] =	vst v63  }
0x5d: {  	_ =	swait.ge [sflag:s30], $0x8000  }
0x5e: {  	[sflag:s30] =	ssyncset.done $0x0  }
0x5f: {  	s8 =	simm.s32 $0xA00;
	[sflag:s30] =	ssyncadd.s32 $0xFFFF8000  }
0x60: {  	[tilespmem:s19], [sflag:$0x2] =	stream.indirect.gather [hbm4b:s5+s18], $0x40, s8, s18, $0xb8;
	[tilespmem:$0x16600] =	vst v63  }
0x61: {  	s11 =	simm.s32 $0xA80  }
0x62: {  	[tilespmem:s20], [sflag:$0x2] =	stream.indirect.gather [hbm4b:s5+s18], $0x40, s11, s18, $0xb8;
	[tilespmem:$0x16600] =	vst v63  }
0x63: {  	s12 =	simm.s32 $0xB00  }
0x64: {  	[tilespmem:s22], [sflag:$0x2] =	stream.indirect.gather [hbm4b:s5+s18], $0x40, s12, s18, $0xb8;
	[tilespmem:$0x16600] =	vst v63  }
0x65: {  	s15 =	simm.s32 $0xB80  }
0x66: {  	[tilespmem:s24], [sflag:$0x2] =	stream.indirect.gather [hbm4b:s5+s18], $0x40, s15, s18, $0xb8;
	[tilespmem:$0x16600] =	vst v63  }
0x67: {  	_ =	swait.ge [sflag:s21], $0x8000  }
0x68: {  	s7 =	sadd.s32 $0x10000, s14;
	s6 =	simm.s32 $0x1000;
	[sflag:s21] =	ssyncset.done $0x0  }
0x69: {  	s8 =	sadd.s32 $0x2000, s10;
	s15 =	smov.u32 s10;
	[sflag:s21] =	ssyncadd.s32 $0xFFFF8000  }
.LBB2_2:
0x6a: {  	[hbm4b:s15+s3] =	stream.linear.scatter [tilespmem:s31], [sflag:$0x5], $0x8000, $0x38;
	[tilespmem:$0x16600] =	vst v63  }
0x6b: {  	s11 =	smov.u32 s6;
	s15 =	smov.u32 s8  }
0x6c: {  	p0 =	sne.s32 s6, $0x16000;
	s6 =	sadd.s32 $0x1000, s6;
	_ =	swait.ge [sflag:s26], $0x8000  }
0x6d: {  	s11 =	sshra.s32 s11, $0x2;
	[sflag:s26] =	ssyncset.done $0x0  }
0x6e: {  	s12 =	sadd.s32 $0x800, s11;
	[sflag:s26] =	ssyncadd.s32 $0xFFFF8000  }
0x6f: {  	[tilespmem:s31], [sflag:$0x3] =	stream.indirect.gather [hbm4b:s5+s18], $0x40, s12, s18, $0xb8;
	[tilespmem:$0x16600] =	vst v63  }
0x70: {  	s12 =	sadd.s32 $0x880, s11  }
0x71: {  	[tilespmem:s0], [sflag:$0x3] =	stream.indirect.gather [hbm4b:s5+s18], $0x40, s12, s18, $0xb8;
	[tilespmem:$0x16600] =	vst v63  }
0x72: {  	s12 =	sadd.s32 $0x900, s11  }
0x73: {  	[tilespmem:s23], [sflag:$0x3] =	stream.indirect.gather [hbm4b:s5+s18], $0x40, s12, s18, $0xb8;
	[tilespmem:$0x16600] =	vst v63  }
0x74: {  	s12 =	sadd.s32 $0x980, s11  }
0x75: {  	[tilespmem:s28], [sflag:$0x3] =	stream.indirect.gather [hbm4b:s5+s18], $0x40, s12, s18, $0xb8;
	[tilespmem:$0x16600] =	vst v63  }
0x76: {  	_ =	swait.ge [sflag:s29], $0x8000  }
0x77: {  	s12 =	sshrl.u32 s7, $0x3;
	[sflag:s29] =	ssyncset.done $0x0  }
0x78: {  	s12 =	sadd.s32 s2, s12;
	[sflag:s29] =	ssyncadd.s32 $0xFFFF8000  }
0x79: {  	[hbm4b:s12+s3] =	stream.linear.scatter [tilespmem:s19], [sflag:$0x4], $0x8000, $0x38;
	[tilespmem:$0x16600] =	vst v63  }
0x7a: {  	_ =	swait.ge [sflag:s30], $0x8000  }
0x7b: {  	[sflag:s30] =	ssyncset.done $0x0  }
0x7c: {  	s12 =	sadd.s32 $0xA00, s11;
	[sflag:s30] =	ssyncadd.s32 $0xFFFF8000  }
0x7d: {  	[tilespmem:s19], [sflag:$0x2] =	stream.indirect.gather [hbm4b:s5+s18], $0x40, s12, s18, $0xb8;
	[tilespmem:$0x16600] =	vst v63  }
0x7e: {  	s12 =	sadd.s32 $0xA80, s11  }
0x7f: {  	[tilespmem:s20], [sflag:$0x2] =	stream.indirect.gather [hbm4b:s5+s18], $0x40, s12, s18, $0xb8;
	[tilespmem:$0x16600] =	vst v63  }
0x80: {  	s12 =	sadd.s32 $0xB00, s11  }
0x81: {  	[tilespmem:s22], [sflag:$0x2] =	stream.indirect.gather [hbm4b:s5+s18], $0x40, s12, s18, $0xb8;
	[tilespmem:$0x16600] =	vst v63  }
.Ltmp0:
0x82: {  	s11 =	sadd.s32 $0xB80, s11;
	(pc) =	sbr.rel @p0 .LBB2_2-.Ltmp0, $4  }
0x83: {  	[tilespmem:s24], [sflag:$0x2] =	stream.indirect.gather [hbm4b:s5+s18], $0x40, s11, s18, $0xb8;
	[tilespmem:$0x16600] =	vst v63  }
0x84: {  	_ =	swait.ge [sflag:s21], $0x8000  }
0x85: {  	[sflag:s21] =	ssyncset.done $0x0  }
0x86: {  	s8 =	sadd.s32 $0x2000, s8;
	s7 =	sadd.s32 $0x10000, s7;
	[sflag:s21] =	ssyncadd.s32 $0xFFFF8000  }
0x87: {  	[hbm4b:s15+s3] =	stream.linear.scatter [tilespmem:s31], [sflag:$0x5], $0x8000, $0x38;
	[tilespmem:$0x16600] =	vst v63  }
0x88: {  	_ =	swait.ge [sflag:s26], $0x8000  }
0x89: {  	[sflag:s26] =	ssyncset.done $0x0  }
0x8a: {  	s6 =	simm.s32 $0x6400;
	[sflag:s26] =	ssyncadd.s32 $0xFFFF8000  }
0x8b: {  	[tilespmem:s31], [sflag:$0x3] =	stream.indirect.gather [hbm4b:s5+s18], $0x40, s6, s18, $0xb8;
	[tilespmem:$0x16600] =	vst v63  }
0x8c: {  	s7 =	simm.s32 $0x6480  }
0x8d: {  	[tilespmem:s0], [sflag:$0x3] =	stream.indirect.gather [hbm4b:s5+s18], $0x40, s7, s18, $0xb8;
	[tilespmem:$0x16600] =	vst v63  }
0x8e: {  	s8 =	simm.s32 $0x6500  }
0x8f: {  	[tilespmem:s23], [sflag:$0x3] =	stream.indirect.gather [hbm4b:s5+s18], $0x40, s8, s18, $0xb8;
	[tilespmem:$0x16600] =	vst v63  }
0x90: {  	s11 =	simm.s32 $0x6580  }
0x91: {  	[tilespmem:s28], [sflag:$0x3] =	stream.indirect.gather [hbm4b:s5+s18], $0x40, s11, s18, $0xb8;
	[tilespmem:$0x16600] =	vst v63  }
0x92: {  	_ =	swait.ge [sflag:s29], $0x8000  }
0x93: {  	[sflag:s29] =	ssyncset.done $0x0  }
0x94: {  	s12 =	rddreg [dreg:$0x9];
	[sflag:s29] =	ssyncadd.s32 $0xFFFF8000  }
0x95: {  	[hbm4b:s12+s3] =	stream.linear.scatter [tilespmem:s19], [sflag:$0x4], $0x8000, $0x38;
	[tilespmem:$0x16600] =	vst v63  }
0x96: {  	_ =	swait.ge [sflag:s30], $0x8000  }
0x97: {  	[sflag:s30] =	ssyncset.done $0x0  }
0x98: {  	[sflag:s30] =	ssyncadd.s32 $0xFFFF8000  }
0x99: {  	s1 =	sadd.s32 $0x1, s1;
	_ =	swait.ge [sflag:s21], $0x8000  }
0x9a: {  	p0 =	sne.s32 s1, s13;
	[sflag:s21] =	ssyncset.done $0x0  }
.Ltmp1:
0x9b: {  	s15 =	rddreg [dreg:$0xa];
	[sflag:s21] =	ssyncadd.s32 $0xFFFF8000;
	(pc) =	sbr.rel @p0 .LBB2_1-.Ltmp1, $4  }
0x9c: {  	[hbm4b:s15+s3] =	stream.linear.scatter [tilespmem:s31], [sflag:$0x5], $0x8000, $0x38;
	[tilespmem:$0x16600] =	vst v63  }
0x9d: {  	_ =	swait.ge [sflag:s26], $0x8000  }
0x9e: {  	[sflag:s26] =	ssyncset.done $0x0  }
0x9f: {  	[sflag:s26] =	ssyncadd.s32 $0xFFFF8000  }
0xa0: {  	_ =	sfence.sel $0x180000  }
0xa1: {  	[bflag:$0x0] =	sbarrier.arrive $0xFFFF  }
0xa2: {  	_ =	strace $0x90000047  }
0xa3: {  	s0 =	stileid.u32;
	[bflag:$0x2] =	sbarrier.arrive $0xFFFF  }
0xa4: {  	p0 =	sne.s32 s0, $0x0;
	s0 =	rddreg [dreg:$0x4]  }
0xa5: {  	s0 =	sadd.s32 @!p0 $0x100000, s0  }
0xa6: {  	[sflag:s0] =	ssyncadd.tile.s32 @!p0 $0x1;
	_ =	shalt  }
.Lfunc_end2:
_tile_overlayer_lowered:
.L_overlay_start_2:
0xa7: {  	(tag) =	ssettag $0x2  }
0xa8: {  	s0 =	rddreg [dreg:$0x0];
	s2 =	stileid.u32  }
0xa9: {  	s1 =	rddreg [dreg:$0x1];
	p0 =	sne.s32 s2, $0x0  }
0xaa: {  	s3 =	rddreg [dreg:$0x2];
	[bflag:$0x3] =	sbarrier.arrive $0xFFFF;
	s2 =	simm.s32 @!p0 $0x1C06  }
0xab: {  	[timem:s3], [sflag:s2] =	dma.local @!p0 [hbm:s0], s1  }
0xac: {  	s0 =	simm.s32 @!p0 $0x6  }
0xad: {  	_ =	swait.ge @!p0 [sflag:s0], s1  }
0xae: {  	s1 =	ssub.s32 @!p0 $0x0, s1;
	[sflag:s0] =	ssyncset.done @!p0 $0x0  }
0xaf: {  	[sflag:s0] =	ssyncadd.s32 @!p0 s1  }
0xb0: {  	[bflag:$0x3] =	sbarrier.arrive $0xFFFF  }
0xb1: {  	_ =	shalt  }

// kernel: sparse-core-data-format-call.cloned.1.call-start
scs
called_computation_lowered:
.L_overlay_start_0:
0x0: {  	s2 =	sld [smem:$0x3FD9]  }
0x1: {  	s3 =	sld [smem:$0x3FFE];
	_ =	sdelay $0x1  }
0x2: {  	s1 =	srdreg.scid  }
0x3: {  	s0 =	sand.u32 $0x1, s1  }
0x4: {  	s15 =	sshll.u32 s0, $0xA;
	s2 =	sadd.s32 s3, s2  }
0x5: {  	s2 =	sadd.s32 s2, s15  }
0x6: {  	[smem:$0x3FC4] =	sst s2  }
0x7: {  	_ = 	snop  }
0x8: {  	s2 =	sld [smem:$0x3FD0];
	_ =	sdelay $0x2  }
0x9: {  	s16 =	simm.s32 $0xA;
	s4 =	simm.s32 $0x10  }
0xa: {  	[smem:s4], [sflag:s16] =	dma.local [hbm:s2], $0x1  }
0xb: {  	_ =	swait.eq [sflag:s16], $0x1  }
0xc: {  	[sflag:s16] =	ssyncset.done $0x0  }
0xd: {  	[sflag:s16] =	ssyncadd.s32 $0xFFFFFFFF  }
0xe: {  	s17 =	sld [smem:$0x11];
	(tm) =	ssettm $0x1  }
0xf: {  	s18 =	sld [smem:$0x3FFB];
	_ =	sdelay $0x3  }
0x10: {  	_ =	strace s18  }
0x11: {  	s3 =	sld [smem:$0x3FFC];
	_ =	sdelay $0x3  }
0x12: {  	_ =	strace s3  }
0x13: {  	s3 =	sld [smem:$0x3FFD];
	_ =	sdelay $0x3  }
0x14: {  	_ =	strace s3  }
0x15: {  	_ =	strace $0x8FFFFFFF  }
0x16: {  	s19 =	sld [smem:$0x3FDB];
	_ =	sdelay $0x1  }
0x17: {  	s20 =	simm.s32 $_scs_section_size  }
0x18: {  	s5 =	simm.s32 $_size__tile_overlayer_lowered;
	s6 =	simm.s32 $_tile_overlayer_lowered  }
0x19: {  	s23 =	simm.s32 $0x1BFF;
	s22 =	sshll.u32 s6, $0x1;
	s3 =	sadd.s32 s20, s19  }
0x1a: {  	s7 =	simm.s32 $0x0;
	s21 =	sshll.u32 s5, $0x1;
	s5 =	sadd.s32 s22, s3  }
0x1b: {  	[timem:s7], [sflag:s23] =	dma.local [hbm:s5], s21  }
0x1c: {  	_ =	swait.ge [sflag:s23], s21  }
0x1d: {  	s4 =	ssub.s32 $0x0, s21;
	[sflag:s23] =	ssyncset.done $0x0  }
0x1e: {  	[sflag:s23] =	ssyncadd.s32 s4;
	_ =	sdelay $0x1  }
0x1f: {  	s24 =	simm.s32 $0x1B8B  }
0x20: {  	_ =	swait.ge [sflag:s24], $0x1  }
0x21: {  	[sflag:s24] =	ssyncset.done $0x0  }
0x22: {  	s26 =	simm.s32 $0x1B8E;
	s25 =	sld [smem:$0x3FFE];
	[sflag:s24] =	ssyncadd.s32 $0xFFFFFFFF  }
0x23: {  	s27 =	simm.s32 $execute0_lowered;
	[smem:$0x3FD2] =	sst s26  }
0x24: {  	s5 =	sshll.u32 s27, $0x1;
	_ =	strace $0x80000049;
	[dreg:$0x1] =	wrdreg $0xFFFFFFFF  }
0x25: {  	s28 =	simm.s32 $_size_execute0_lowered;
	s3 =	sadd.s32 s3, s5;
	[dreg:$0x0] =	wrdreg $0x0  }
0x26: {  	s5 =	sshll.u32 s28, $0x1;
	[dreg:$0x2] =	wrdreg s3  }
0x27: {  	[dreg:$0x3] =	wrdreg s5  }
0x28: {  	[dreg:$0x4] =	wrdreg $0xC0  }
0x29: {  	_ =	task [dreg:s7], $0x5FFFF  }
0x2a: {  	[dreg:$0x1] =	wrdreg $0xFFFFFFFF  }
0x2b: {  	[dreg:$0x0] =	wrdreg $0x60  }
0x2c: {  	[dreg:$0x2] =	wrdreg s25  }
0x2d: {  	[dreg:$0x3] =	wrdreg s17  }
0x2e: {  	[dreg:$0x4] =	wrdreg $0x9  }
0x2f: {  	_ =	task.clear_ibuf [dreg:s7], $0x5FFFF;
	_ =	strace $0x90000049  }
0x30: {  	s29 =	simm.s32 $0x9;
	_ =	strace $0x8000004B  }
0x31: {  	_ =	swait.ge [sflag:s29], $0x1  }
0x32: {  	[sflag:s29] =	ssyncadd.s32 $0xFFFFFFFF  }
0x33: {  	_ =	strace $0x9000004B  }
0x34: {  	_ =	sfence  }
0x35: {  	s30 =	sld [smem:$0x0];
	_ =	sdelay $0x2  }
0x36: {  	s31 =	sshll.u32 s1, $0xD;
	s1 =	sshrl.u32 s1, $0x2  }
0x37: {  	s3 =	sand.u32 $0x4000, s31;
	s1 =	sadd.s32 s1, s30  }
0x38: {  	s0 =	sor.u32 s3, s0;
	s1 =	sshll.u32 s1, $0x11  }
0x39: {  	s0 =	sor.u32 s1, s0  }
0x3a: {  	s0 =	sadd.s32 $0x8F2B, s0  }
0x3b: {  	[sflag:s0] =	ssyncadd.remote.s32 $0x1  }
0x3c: {  	_ =	sfence.sel $0xFFFF  }
0x3d: {  	[dreg:$0x0] =	wrdreg $0xFFFFFFFF;
	(pc) =	sbr.abs _section_cstart, $3  }
0x3e: {  	[dreg:$0x1] =	wrdreg $0xFFFFFFFF  }
0x3f: {  	_ =	task.clear_ibuf [dreg:s7], $0x2FFFF;
	_ =	strace $0x9FFFFFFF  }
0x40: {  	(tm) =	ssettm $0x7FFFFFFF  }
0x41: {  	_ =	shalt  }
tec
execute0_lowered:
.L_overlay_start_1:
0x0: {  	(tag) =	ssettag $0x1  }
0x1: {  	s0 =	srdreg.scid  }
0x2: {  	s1 =	sshll.u32 s0, $0x4  }
0x3: {  	s0 =	stileid.u32;
	s1 =	sand.u32 $0x10, s1  }
0x4: {  	s1 =	sor.u32 s0, s1  }
0x5: {  	s6 =	rddreg [dreg:$0x0];
	s4 =	simm.s32 $0x1;
	s2 =	sshll.u32 s1, $0x7  }
0x6: {  	s7 =	simm.s32 $0x2;
	s12 =	simm.s32 $0x0;
	s1 =	ssub.s32 $0x4000, s2  }
0x7: {  	s8 =	simm.s32 $0x20000;
	s13 =	simm.s32 $0x0;
	s3 =	sand.u32 $0xF80, s1  }
0x8: {  	s9 =	simm.s32 $0x0;
	s5 =	sshrl.u32 s1, $0xC;
	p0 =	sne.s32 s3, $0x0  }
.Ltmp0:
0x9: {  	s1 =	rddreg [dreg:$0x2];
	s4 =	simm.s32 @!p0 $0x0;
	(pc) =	sbr.rel .LBB1_1-.Ltmp0, $4  }
0xa: {  	s11 =	simm.s32 $0x0;
	s3 =	rddreg [dreg:$0x1];
	s5 =	sadd.s32 s4, s5  }
0xb: {  	_ =	strace $0x8000004A;
	s4 =	simm.s32 $0x1;
	s5 =	smul.u32 $0x32, s5  }
0xc: {  	s6 =	sadd.s32 $0x1000, s6;
	s10 =	smov.u32 s2;
	[sflag:s4] =	ssyncpa.u1 $0x0  }
0xd: {  	p0 =	por $0x0, $0x0;
	[sflag:s7] =	ssyncpa.u1 $0x0;
	s7 =	sor.u32 $0x1, s5  }
.LBB1_4:
0xe: {  	s16 =	sshll.u32 s13, $0x3;
	s17 =	sand.u32 $0x78, s13  }
0xf: {  	s30 =	sand.u32 $0x1F800, s13;
	s12 =	sshll.u32 s12, $0x11;
	s16 =	sand.u32 $0x3C00, s16  }
0x10: {  	[tilespmem:s15+$0x810 ss:$0x81] =	vst.msk $0xffff, v2;
	s31 =	sand.u32 $0x7, s13;
	s16 =	sor.u32 s17, s16;
	s17 =	sadd.s32 s3, s30  }
0x11: {  	[tilespmem:s15+$0x1020 ss:$0x81] =	vst.msk $0xffff, v0;
	s13 =	sshll.u32 s31, $0x12;
	s12 =	sadd.s32 s12, s17;
	s16 =	sshrl.u32 s16, $0x3  }
0x12: {  	[tilespmem:s15+$0x0 ss:$0x81] =	vst.msk $0xffff, v1;
	s13 =	sor.u32 $0x400, s13;
	s12 =	sadd.s32 s16, s12  }
0x13: {  	[hbm4b:s12+s13] =	stream.strided.scatter [tilespmem:s14], [sflag:$0x2], $0x2000, s8, s13, $0x20;
	[tilespmem:$0x8080] =	vst v63  }
.LBB1_5:
0x14: {  	s14 =	sadd.s32 $0x1, s9  }
0x15: {  	s12 =	sadd.s32 $0x1000, s10;
	s16 =	smov.u32 s10;
	p2 =	sgt.s32 s14, $0x31  }
0x16: {  	s16 =	smov.u32 @p2 s12  }
0x17: {  	s14 =	simm.s32 @p2 $0x0;
	p2 =	sgt.s32 s16, $0x3FFF  }
0x18: {  	s16 =	smov.u32 @p2 s2;
	p2 =	sne.s32 s11, s7  }
.Ltmp1:
0x19: {  	p1 =	slt.u32 s11, $0x2;
	(pc) =	sbr.rel @!p2 .LBB1_6-.Ltmp1, $4  }
0x1a: {  	s15 =	simm.s32 @!p1 $0x2  }
0x1b: {  	s13 =	smov.u32 s10;
	p0 =	por !p0, !p0;
	_ =	swait.ge @!p1 [sflag:s15], $0x2000  }
0x1c: {  	s12 =	smov.u32 s9;
	[sflag:s15] =	ssyncset.done @!p1 $0x0;
	s9 =	smov.u32 s14  }
0x1d: {  	s11 =	sadd.s32 $0x1, s11;
	[sflag:s15] =	ssyncadd.s32 @!p1 $0xFFFFE000;
	s10 =	smov.u32 s16  }
.LBB1_1:
0x1e: {  	p1 =	sge.u32 s11, s5  }
0x1f: {  	s14 =	sand.u32 @!p1 $0x1FFFFFF, s9  }
0x20: {  	s15 =	smulhi.u32 @!p1 $0x4924925, s14;
	_ =	sdelay $0x1  }
0x21: {  	s15 =	smul.u32 @!p1 $0x38, s15  }
0x22: {  	s16 =	sxor.u32 @!p1 $0xFFFFFFFF, s11;
	s17 =	smul.u32 @!p1 $0x380, s10  }
0x23: {  	s31 =	sadd.s32 $0xFFFFFFFF, s11;
	s16 =	sshll.u32 @!p1 s16, $0xD;
	s14 =	ssub.s32 @!p1 s14, s15  }
0x24: {  	s15 =	sand.u32 @!p1 $0x2000, s16;
	s16 =	sadd.s32 @!p1 s6, s17;
	s14 =	sshll.u32 @!p1 s14, $0x4  }
0x25: {  	s17 =	simm.s32 @!p1 $0x1C00;
	s14 =	sadd.s32 @!p1 s14, s16;
	s16 =	simm.s32 @!p1 $0x40  }
0x26: {  	[tilespmem:s15], [sflag:$0x1] =	stream.strided.gather @!p1 [hbm4b:s14+s16], $0x2000, s17, s16, $0x38;
	[tilespmem:$0x8080] =	vst v63  }
0x27: {  	p1 =	sge.u32 s31, s5  }
.Ltmp2:
0x28: {  	_ = 	snop;
	(pc) =	sbr.rel @p1 .LBB1_5-.Ltmp2, $1  }
0x29: {  	_ =	sdelay $0x3  }
0x2a: {  	s14 =	simm.s32 $0x1  }
0x2b: {  	_ =	swait.ge [sflag:s4], $0x2000;
	s14 =	simm.s32 @!p0 $0x0  }
0x2c: {  	[sflag:s4] =	ssyncset.done $0x0;
	s15 =	sshll.u32 s14, $0xD  }
0x2d: {  	[sflag:s4] =	ssyncadd.s32 $0xFFFFE000;
	s18 =	sor.u32 $0x20, s15  }
0x2e: {  	s14 =	smul.u32 $0x8100, s14;
	v3 =	vld [tilespmem:s18+$0x10]  }
0x2f: {  	s30 =	sand.u32 $0x1, s11;
	v2 =	vld [tilespmem:s18+$0xFFFFFFF0]  }
0x30: {  	s15 =	smul.u32 $0x8100, s30;
	s14 =	sshrl.u32 s14, $0x2;
	v0 =	vld [tilespmem:s18+$0x0]  }
0x31: {  	v1 =	vld [tilespmem:s18+$0xFFFFFFE0];
	s16 =	sor.u32 $0x4000, s14  }
0x32: {  	s31 =	sshrl.u32 s15, $0x2;
	s15 =	sadd.s32 $0x0, s16  }
0x33: {  	s17 =	simm.s32 $0x4;
	s18 =	sadd.s32 $0x40, s18;
	s14 =	sor.u32 $0x4000, s31;
	[tilespmem:s15+$0x1830 ss:$0x81] =	vst.msk $0xffff, v3  }
.LBB1_3:
0x34: {  	v3 =	vld [tilespmem:s18+$0x10];
	p1 =	sne.s32 s17, $0x1FC;
	[tilespmem:s15+$0x810 ss:$0x81] =	vst.msk $0xffff, v2;
	s19 =	smov.u32 s17;
	s17 =	sadd.s32 $0x4, s17  }
.Ltmp3:
0x35: {  	v2 =	vld [tilespmem:s18+$0xFFFFFFF0];
	[tilespmem:s15+$0x1020 ss:$0x81] =	vst.msk $0xffff, v0;
	(pc) =	sbr.rel @p1 .LBB1_3-.Ltmp3, $4  }
0x36: {  	v0 =	vld [tilespmem:s18+$0x0];
	[tilespmem:s15+$0x0 ss:$0x81] =	vst.msk $0xffff, v1  }
0x37: {  	s15 =	sshra.s32 s19, $0x2;
	v1 =	vld [tilespmem:s18+$0xFFFFFFE0]  }
0x38: {  	s15 =	sadd.s32 s15, s16  }
0x39: {  	s18 =	sadd.s32 $0x40, s18;
	[tilespmem:s15+$0x1830 ss:$0x81] =	vst.msk $0xffff, v3  }
.Ltmp4:
0x3a: {  	_ = 	snop;
	(pc) =	sbr.rel .LBB1_4-.Ltmp4, $1  }
0x3b: {  	_ =	sdelay $0x3  }
.LBB1_6:
0x3c: {  	_ =	sfence.sel $0x180000  }
0x3d: {  	s2 =	simm.s32 $0x1;
	[bflag:$0x0] =	sbarrier.arrive $0xFFFF  }
0x3e: {  	s31 =	simm.s32 $0x2;
	[sflag:s2] =	ssyncpa.u1 $0x1  }
0x3f: {  	[sflag:s31] =	ssyncpa.u1 $0x1  }
0x40: {  	p0 =	sne.s32 s0, $0x0;
	_ =	strace $0x9000004A  }
0x41: {  	s0 =	sadd.s32 @!p0 $0x100000, s1;
	[bflag:$0x2] =	sbarrier.arrive $0xFFFF  }
0x42: {  	[sflag:s0] =	ssyncadd.tile.s32 @!p0 $0x1;
	_ =	shalt  }
.Lfunc_end1:
_tile_overlayer_lowered:
.L_overlay_start_2:
0x43: {  	(tag) =	ssettag $0x2  }
0x44: {  	s0 =	rddreg [dreg:$0x0];
	s2 =	stileid.u32  }
0x45: {  	s1 =	rddreg [dreg:$0x1];
	p0 =	sne.s32 s2, $0x0  }
0x46: {  	s3 =	rddreg [dreg:$0x2];
	[bflag:$0x3] =	sbarrier.arrive $0xFFFF;
	s2 =	simm.s32 @!p0 $0x1C01  }
0x47: {  	[timem:s3], [sflag:s2] =	dma.local @!p0 [hbm:s0], s1  }
0x48: {  	s0 =	simm.s32 @!p0 $0x1  }
0x49: {  	_ =	swait.ge @!p0 [sflag:s0], s1  }
0x4a: {  	s1 =	ssub.s32 @!p0 $0x0, s1;
	[sflag:s0] =	ssyncset.done @!p0 $0x0  }
0x4b: {  	[sflag:s0] =	ssyncadd.s32 @!p0 s1  }
0x4c: {  	[bflag:$0x3] =	sbarrier.arrive $0xFFFF  }
0x4d: {  	_ =	shalt  }

</sc_bundles>
